<compile_context>
chip_gen: v7x
topology: tpu7x:2x2x1
jax: 0.10.2.dev20260603
libtpu: 0.0.44.dev20260713+nightly
codegen_flags: <defaults>
</compile_context>

<pallas_src>
import functools

import jax
import jax.numpy as jnp
from jax import lax
from jax.experimental import pallas as pl
from jax.experimental.pallas import tpu as pltpu
from jax.experimental.pallas import tpu_sc as plsc

N = 10000
E = 320000
D_IN = 128
H = 16
D_OUT = 300

NC = 2
NS = 16
NW = NC * NS
E_TILE = E // NW
CHUNK = 128
CHUNKS = E_TILE // CHUNK
TAIL = E_TILE - CHUNKS * CHUNK
N_PAD = 10240
RPT = N_PAD // NS
D_OUT_PAD = 304
BM = 1024
BT = 2000

_mesh = plsc.VectorSubcoreMesh(
    core_axis_name="c", subcore_axis_name="s", num_cores=NC, num_subcores=NS)



def _edge_pass(table_h, src_v, dst_v, bufs, acc, sems):

    def gather(j, buf, sem):
        return pltpu.async_copy(
            table_h.at[src_v.at[pl.ds(j * CHUNK, CHUNK)]], buf, sem)

    def gwait(buf, sem):
        pltpu.make_async_copy(table_h.at[pl.ds(0, CHUNK)], buf, sem).wait()

    def scat(j, buf):
        pltpu.sync_copy(buf, acc.at[dst_v.at[pl.ds(j * CHUNK, CHUNK)]],
                        add=True)

    nb = len(bufs)
    for k in range(nb):
        gather(k, bufs[k], sems[k])

    def quad(i, carry):
        j = nb * i
        for k in range(nb):
            gwait(bufs[k], sems[k])
            scat(j + k, bufs[k])

            @pl.when(j + k + nb < CHUNKS)
            def _():
                gather(j + k + nb, bufs[k], sems[k])

        return carry

    lax.fori_loop(0, CHUNKS // nb, quad, 0)
    for k in range(CHUNKS - nb * (CHUNKS // nb)):
        jj = nb * (CHUNKS // nb) + k
        gwait(bufs[k], sems[k])
        scat(jj, bufs[k])
    tb = CHUNKS * CHUNK
    pltpu.async_copy(
        table_h.at[src_v.at[pl.ds(tb, TAIL)]], bufs[0].at[pl.ds(0, TAIL)],
        sems[0]).wait()
    pltpu.sync_copy(bufs[0].at[pl.ds(0, TAIL)],
                    acc.at[dst_v.at[pl.ds(tb, TAIL)]], add=True)


def _sc_agg(table, ei, zeros):

    @functools.partial(
        pl.kernel,
        mesh=_mesh,
        out_type=jax.ShapeDtypeStruct((NC, N_PAD, H), jnp.float32),
        compiler_params=pltpu.CompilerParams(use_tc_tiling_on_sc=False),
        scratch_types=[
            pltpu.VMEM((E_TILE,), jnp.int32),
            pltpu.VMEM((E_TILE,), jnp.int32),
            pltpu.VMEM((CHUNK, H), jnp.float32),
            pltpu.VMEM((CHUNK, H), jnp.float32),
            pltpu.VMEM((CHUNK, H), jnp.float32),
            pltpu.VMEM((CHUNK, H), jnp.float32),
            pltpu.VMEM_SHARED((N_PAD, H), jnp.float32),
            pltpu.SemaphoreType.DMA,
            pltpu.SemaphoreType.DMA,
            pltpu.SemaphoreType.DMA,
            pltpu.SemaphoreType.DMA,
        ],
    )
    def body(table_h, ei_h, zeros_h, out_h, src_v, dst_v, buf0, buf1, buf2,
             buf3, acc, sem0, sem1, sem2, sem3):
        cid = lax.axis_index("c")
        sid = lax.axis_index("s")
        wid = cid * NS + sid
        row0 = sid * RPT
        e0 = wid * E_TILE
        pltpu.sync_copy(zeros_h.at[pl.ds(row0, RPT)], acc.at[pl.ds(row0, RPT)])
        pltpu.sync_copy(ei_h.at[0, pl.ds(e0, E_TILE)], src_v)
        pltpu.sync_copy(ei_h.at[1, pl.ds(e0, E_TILE)], dst_v)
        plsc.subcore_barrier()
        _edge_pass(table_h, src_v, dst_v, (buf0, buf1, buf2, buf3), acc,
                   (sem0, sem1, sem2, sem3))
        plsc.subcore_barrier()
        pltpu.sync_copy(acc.at[pl.ds(row0, RPT)], out_h.at[cid, pl.ds(row0, RPT)])

    return body(table, ei, zeros)


def _bn_body(q0_ref, q1_ref, s_ref, dv_ref, b0_ref, mean_ref, var_ref,
             gamma_ref, beta_ref, h_ref, t_ref):
    dv = dv_ref[...]
    scale = gamma_ref[...] * lax.rsqrt(var_ref[...] + 1e-5)
    conv = (q0_ref[...] + q1_ref[...] + s_ref[...]) * dv + b0_ref[...]
    h = (conv - mean_ref[...]) * scale + beta_ref[...]
    h_ref[...] = h
    t_ref[...] = h * dv


def _tc_bn(q0, q1, s, dv, b0r, meanr, varr, gammar, betar):
    blk = pl.BlockSpec((BM, H), lambda i: (i, 0))
    par = pl.BlockSpec((1, H), lambda i: (0, 0))
    return pl.pallas_call(
        _bn_body,
        grid=(N_PAD // BM,),
        in_specs=[blk, blk, blk, blk, par, par, par, par, par],
        out_specs=[blk, blk],
        out_shape=[jax.ShapeDtypeStruct((N_PAD, H), jnp.float32),
                   jax.ShapeDtypeStruct((N_PAD, H), jnp.float32)],
    )(q0, q1, s, dv, b0r, meanr, varr, gammar, betar)


def _sc_deg(ei, e0c, zeros):

    @functools.partial(
        pl.kernel,
        mesh=_mesh,
        out_type=jax.ShapeDtypeStruct((NC, N_PAD, H), jnp.float32),
        compiler_params=pltpu.CompilerParams(use_tc_tiling_on_sc=False),
        scratch_types=[
            pltpu.VMEM((E_TILE,), jnp.int32),
            pltpu.VMEM((CHUNK, H), jnp.float32),
            pltpu.VMEM_SHARED((N_PAD, H), jnp.float32),
            pltpu.SemaphoreType.DMA,
        ],
    )
    def body(ei_h, e0_h, zeros_h, out_h, dst_v, buf, acc, sem):
        cid = lax.axis_index("c")
        sid = lax.axis_index("s")
        wid = cid * NS + sid
        row0 = sid * RPT
        e0 = wid * E_TILE
        pltpu.sync_copy(zeros_h.at[pl.ds(row0, RPT)], acc.at[pl.ds(row0, RPT)])
        pltpu.sync_copy(ei_h.at[1, pl.ds(e0, E_TILE)], dst_v)
        pltpu.sync_copy(e0_h, buf)
        plsc.subcore_barrier()

        def chunk(j, carry):
            pltpu.async_copy(buf, acc.at[dst_v.at[pl.ds(j * CHUNK, CHUNK)]],
                             sem, add=True)
            return carry

        lax.fori_loop(0, CHUNKS, chunk, 0)
        tb = CHUNKS * CHUNK
        pltpu.async_copy(buf.at[pl.ds(0, TAIL)],
                         acc.at[dst_v.at[pl.ds(tb, TAIL)]], sem, add=True)

        def drain(j, carry):
            pltpu.make_async_copy(
                buf, acc.at[dst_v.at[pl.ds(0, CHUNK)]], sem).wait()
            return carry

        lax.fori_loop(0, CHUNKS, drain, 0)
        pltpu.make_async_copy(
            buf.at[pl.ds(0, TAIL)], acc.at[dst_v.at[pl.ds(0, TAIL)]],
            sem).wait()
        plsc.subcore_barrier()
        pltpu.sync_copy(acc.at[pl.ds(row0, RPT)], out_h.at[cid, pl.ds(row0, RPT)])

    return body(ei, e0c, zeros)



def _mm_body(x_ref, w_ref, o_ref):
    o_ref[...] = jnp.dot(x_ref[...], w_ref[...],
                         preferred_element_type=jnp.float32)


def _tc_matmul(x_p, w0):
    return pl.pallas_call(
        _mm_body,
        grid=(N_PAD // BM,),
        in_specs=[pl.BlockSpec((BM, D_IN), lambda i: (i, 0)),
                  pl.BlockSpec((D_IN, H), lambda i: (0, 0))],
        out_specs=pl.BlockSpec((BM, H), lambda i: (i, 0)),
        out_shape=jax.ShapeDtypeStruct((N_PAD, H), jnp.float32),
    )(x_p, w0)


def _scale_body(p0_ref, p1_ref, h0_ref, s_ref, dv_ref):
    deg = p0_ref[:, 0:1] + p1_ref[:, 0:1] + 1.0
    dv = lax.rsqrt(deg)
    s_ref[...] = h0_ref[...] * dv
    dv_ref[...] = jnp.broadcast_to(dv, (BM, H))


def _tc_scale(p0, p1, h0):
    blk = pl.BlockSpec((BM, H), lambda i: (i, 0))
    return pl.pallas_call(
        _scale_body,
        grid=(N_PAD // BM,),
        in_specs=[blk, blk, blk],
        out_specs=[blk, blk],
        out_shape=[jax.ShapeDtypeStruct((N_PAD, H), jnp.float32),
                   jax.ShapeDtypeStruct((N_PAD, H), jnp.float32)],
    )(p0, p1, h0)


def _out_body(r0_ref, r1_ref, t_ref, dv_ref, w_ref, b_ref, o_ref):
    u = (r0_ref[...] + r1_ref[...] + t_ref[...]) * dv_ref[...]
    emb = lax.dot_general(w_ref[...], u, (((0,), (1,)), ((), ())),
                          preferred_element_type=jnp.float32) + b_ref[...]
    m = jnp.max(emb, axis=0, keepdims=True)
    z = emb - m
    lse = jnp.log(jnp.sum(jnp.exp(z), axis=0, keepdims=True))
    o_ref[...] = z - lse


def _tc_out(r0, r1, t, dv, w_pad, b_pad):
    blk = pl.BlockSpec((N, H), lambda i: (0, 0))
    return pl.pallas_call(
        _out_body,
        grid=(1,),
        in_specs=[blk, blk, blk, blk,
                  pl.BlockSpec((H, D_OUT_PAD), lambda i: (0, 0)),
                  pl.BlockSpec((D_OUT_PAD, 1), lambda i: (0, 0))],
        out_specs=pl.BlockSpec((D_OUT_PAD, N), lambda i: (0, 0)),
        out_shape=jax.ShapeDtypeStruct((D_OUT_PAD, N), jnp.float32),
        compiler_params=pltpu.CompilerParams(
            vmem_limit_bytes=48 * 1024 * 1024),
    )(r0, r1, t, dv, w_pad, b_pad)



def kernel(x, edge_index, W0, b0, bn_gamma, bn_beta, bn_mean, bn_var,
           W_out, b_out):
    ei = edge_index.astype(jnp.int32)

    x_p = jnp.pad(x, ((0, N_PAD - N), (0, 0)))
    zeros = jnp.zeros((N_PAD, H), jnp.float32)
    e0c = jnp.zeros((CHUNK, H), jnp.float32).at[:, 0].set(1.0)
    w_pad = jnp.pad(W_out, ((0, 0), (0, D_OUT_PAD - D_OUT)))
    b_pad = jnp.concatenate(
        [b_out, jnp.full((D_OUT_PAD - D_OUT,), -1e30, jnp.float32)]
    ).reshape(D_OUT_PAD, 1)
    b0r = b0.reshape(1, H)
    meanr = bn_mean.reshape(1, H)
    varr = bn_var.reshape(1, H)
    gammar = bn_gamma.reshape(1, H)
    betar = bn_beta.reshape(1, H)

    h0 = _tc_matmul(x_p, W0)
    degp = _sc_deg(ei, e0c, zeros)
    s, dv = _tc_scale(degp[0], degp[1], h0)
    aggp = _sc_agg(s, ei, zeros)
    h, t = _tc_bn(aggp[0], aggp[1], s, dv,
                  b0r, meanr, varr, gammar, betar)
    agg2 = _sc_agg(t, ei, zeros)
    yt = _tc_out(agg2[0], agg2[1], t, dv, w_pad, b_pad)

    return (h[:N], yt[:D_OUT].T)

# --- scband reference (transcript-rebuilt; emitter-appended) ---
"""Pipeline reference for scband-homo-gnn-35184372088984 (READ-ONLY COPY).

The authoritative reference and input builder live on the scoring server;
editing this copy changes nothing except your own understanding.
"""

import jax, jax.numpy as jnp
import numpy as np

N = 10000
E = 320000
D_IN = 128
H = 16
D_OUT = 300


def setup_inputs(seed: int = 0) -> dict:
    key = jax.random.key(seed)
    ks = [jax.random.fold_in(key, i) for i in range(10)]
    x = jax.random.normal(ks[0], (N, D_IN), dtype=jnp.float32)
    edge_index = jax.random.randint(ks[1], (2, E), 0, N, dtype=jnp.int64)
    W0 = jax.random.normal(ks[2], (D_IN, H), dtype=jnp.float32) * (1.0 / np.sqrt(D_IN))
    b0 = jnp.zeros((H,), dtype=jnp.float32)
    bn_gamma = jnp.ones((H,), dtype=jnp.float32)
    bn_beta = jnp.zeros((H,), dtype=jnp.float32)
    bn_mean = jnp.zeros((H,), dtype=jnp.float32)
    bn_var = jnp.ones((H,), dtype=jnp.float32)
    W_out = jax.random.normal(ks[3], (H, D_OUT), dtype=jnp.float32) * (1.0 / np.sqrt(H))
    b_out = jnp.zeros((D_OUT,), dtype=jnp.float32)
    return {"x": x, "edge_index": edge_index, "W0": W0, "b0": b0,
            "bn_gamma": bn_gamma, "bn_beta": bn_beta, "bn_mean": bn_mean,
            "bn_var": bn_var, "W_out": W_out, "b_out": b_out}


def _gcn_conv(x, src, dst, W, b, n):
    # PyG GCNConv: linear transform, symmetric normalization with self-loops, scatter-add aggregate, bias
    h = x @ W
    deg = jnp.zeros((n,), dtype=x.dtype).at[dst].add(1.0)
    dinv = jnp.where(deg > 0, 1.0 / jnp.sqrt(deg), 0.0)
    norm = dinv[src] * dinv[dst]
    msgs = h[src] * norm[:, None]
    out = jnp.zeros((n, h.shape[1]), dtype=x.dtype).at[dst].add(msgs)
    return out + b


def reference(x, edge_index, W0, b0, bn_gamma, bn_beta, bn_mean, bn_var, W_out, b_out):
    n = x.shape[0]
    loop = jnp.arange(n, dtype=edge_index.dtype)
    src = jnp.concatenate([edge_index[0], loop])
    dst = jnp.concatenate([edge_index[1], loop])
    # layer 0: conv -> BatchNorm1d (eval mode, running stats)
    h = _gcn_conv(x, src, dst, W0, b0, n)
    h = (h - bn_mean) / jnp.sqrt(bn_var + 1e-5) * bn_gamma + bn_beta
    # note: activation output x_emb is discarded in the original forward (eval path)
    emb = _gcn_conv(h, src, dst, W_out, b_out, n)
    return (h, jax.nn.log_softmax(emb, axis=1))

if __name__ == "__main__":
    import jax
    _d = setup_inputs()
    print(jax.jit(kernel)(*tuple(_d.values())))

</pallas_src>

<mosaic_0001>
#map = affine_map<(d0, d1) -> (0, 0)>
#map1 = affine_map<(d0, d1) -> (0, 0, 0)>
module attributes {stable_mosaic.version = 14 : i64} {
  func.func @body(%arg0: i32, %arg1: i32, %arg2: memref<10240x16xf32, #tpu.memory_space<hbm>>, %arg3: memref<2x320000xi32, #tpu.memory_space<hbm>>, %arg4: memref<10240x16xf32, #tpu.memory_space<hbm>>, %arg5: memref<2x10240x16xf32, #tpu.memory_space<hbm>>, %arg6: memref<10000xi32, #tpu.memory_space<vmem>>, %arg7: memref<10000xi32, #tpu.memory_space<vmem>>, %arg8: memref<128x16xf32, #tpu.memory_space<vmem>>, %arg9: memref<128x16xf32, #tpu.memory_space<vmem>>, %arg10: memref<128x16xf32, #tpu.memory_space<vmem>>, %arg11: memref<128x16xf32, #tpu.memory_space<vmem>>, %arg12: memref<10240x16xf32, #tpu.memory_space<vmem_shared>>, %arg13: memref<!tpu.dma_semaphore, #tpu.memory_space<semaphore_mem>>, %arg14: memref<!tpu.dma_semaphore, #tpu.memory_space<semaphore_mem>>, %arg15: memref<!tpu.dma_semaphore, #tpu.memory_space<semaphore_mem>>, %arg16: memref<!tpu.dma_semaphore, #tpu.memory_space<semaphore_mem>>) attributes {dimension_semantics = [#tpu.dimension_semantics<core_parallel>, #tpu.dimension_semantics<subcore_parallel>], iteration_bounds = array<i64: 2, 16>, scalar_prefetch = 0 : i64, scratch_operands = 11 : i64, tpu.core_type = #tpu.core_type<sc_vector_subcore>, window_params = [{transform_indices = #map}, {transform_indices = #map}, {transform_indices = #map}, {transform_indices = #map1}]} {
    %mul3A = arith.constant 16 : i32
    %mul3A_0 = arith.muli %arg0, %mul3A : i32
    %add3A = arith.addi %mul3A_0, %arg1 : i32
    %mul3A_1 = arith.constant 640 : i32
    %mul3A_2 = arith.muli %arg1, %mul3A_1 : i32
    %mul3A_3 = arith.constant 10000 : i32
    %mul3A_4 = arith.muli %add3A, %mul3A_3 : i32
    "tpu.region"() ({
      %run_scoped3A_58 = tpu.sem_alloc : memref<!tpu.dma_semaphore, #tpu.memory_space<semaphore_mem>>
      %dma_start3A_59 = arith.constant 0 : i32
      %dma_start3A_60 = tpu.memref_slice %arg12[%mul3A_2, %dma_start3A_59] : memref<10240x16xf32, #tpu.memory_space<vmem_shared>> -> memref<640x16xf32, #tpu.memory_space<vmem_shared>>
      %dma_start3A_61 = arith.constant 0 : i32
      %dma_start3A_62 = tpu.memref_slice %arg4[%mul3A_2, %dma_start3A_61] : memref<10240x16xf32, #tpu.memory_space<hbm>> -> memref<640x16xf32, #tpu.memory_space<hbm>>
      tpu.enqueue_dma source(%dma_start3A_62 : memref<640x16xf32, #tpu.memory_space<hbm>>) target(%dma_start3A_60 : memref<640x16xf32, #tpu.memory_space<vmem_shared>>) target_semaphore(%run_scoped3A_58 : memref<!tpu.dma_semaphore, #tpu.memory_space<semaphore_mem>>)
      %dma_wait3A_63 = arith.constant 0 : i32
      %dma_wait3A_64 = tpu.memref_slice %arg12[%mul3A_2, %dma_wait3A_63] : memref<10240x16xf32, #tpu.memory_space<vmem_shared>> -> memref<640x16xf32, #tpu.memory_space<vmem_shared>>
      %dma_wait3A_65 = arith.constant 0 : i32
      %dma_wait3A_66 = tpu.memref_slice %arg4[%mul3A_2, %dma_wait3A_65] : memref<10240x16xf32, #tpu.memory_space<hbm>> -> memref<640x16xf32, #tpu.memory_space<hbm>>
      tpu.wait_dma2 semaphore(%run_scoped3A_58 : memref<!tpu.dma_semaphore, #tpu.memory_space<semaphore_mem>>) src(%dma_wait3A_66 : memref<640x16xf32, #tpu.memory_space<hbm>>) dst(%dma_wait3A_64 : memref<640x16xf32, #tpu.memory_space<vmem_shared>>)
      tpu.yield
    }) : () -> ()
    %run_scoped3A = arith.constant 0 : i32
    "tpu.region"() ({
      %run_scoped3A_58 = tpu.sem_alloc : memref<!tpu.dma_semaphore, #tpu.memory_space<semaphore_mem>>
      %dma_start3A_59 = tpu.memref_slice %arg3[%run_scoped3A, %mul3A_4] : memref<2x320000xi32, #tpu.memory_space<hbm>> -> memref<1x10000xi32, #tpu.memory_space<hbm>>
      %dma_start3A_60 = tpu.memref_squeeze %dma_start3A_59 : memref<1x10000xi32, #tpu.memory_space<hbm>> -> memref<10000xi32, #tpu.memory_space<hbm>>
      %dma_start3A_61 = tpu.memref_slice %arg3[%run_scoped3A, %mul3A_4] : memref<2x320000xi32, #tpu.memory_space<hbm>> -> memref<1x10000xi32, #tpu.memory_space<hbm>>
      %dma_start3A_62 = tpu.memref_squeeze %dma_start3A_61 : memref<1x10000xi32, #tpu.memory_space<hbm>> -> memref<10000xi32, #tpu.memory_space<hbm>>
      tpu.enqueue_dma source(%dma_start3A_62 : memref<10000xi32, #tpu.memory_space<hbm>>) target(%arg6 : memref<10000xi32, #tpu.memory_space<vmem>>) target_semaphore(%run_scoped3A_58 : memref<!tpu.dma_semaphore, #tpu.memory_space<semaphore_mem>>)
      %dma_wait3A_63 = tpu.memref_slice %arg3[%run_scoped3A, %mul3A_4] : memref<2x320000xi32, #tpu.memory_space<hbm>> -> memref<1x10000xi32, #tpu.memory_space<hbm>>
      %dma_wait3A_64 = tpu.memref_squeeze %dma_wait3A_63 : memref<1x10000xi32, #tpu.memory_space<hbm>> -> memref<10000xi32, #tpu.memory_space<hbm>>
      %dma_wait3A_65 = tpu.memref_slice %arg3[%run_scoped3A, %mul3A_4] : memref<2x320000xi32, #tpu.memory_space<hbm>> -> memref<1x10000xi32, #tpu.memory_space<hbm>>
      %dma_wait3A_66 = tpu.memref_squeeze %dma_wait3A_65 : memref<1x10000xi32, #tpu.memory_space<hbm>> -> memref<10000xi32, #tpu.memory_space<hbm>>
      tpu.wait_dma2 semaphore(%run_scoped3A_58 : memref<!tpu.dma_semaphore, #tpu.memory_space<semaphore_mem>>) src(%dma_wait3A_66 : memref<10000xi32, #tpu.memory_space<hbm>>) dst(%arg6 : memref<10000xi32, #tpu.memory_space<vmem>>)
      tpu.yield
    }) : () -> ()
    %run_scoped3A_5 = arith.constant 1 : i32
    "tpu.region"() ({
      %run_scoped3A_58 = tpu.sem_alloc : memref<!tpu.dma_semaphore, #tpu.memory_space<semaphore_mem>>
      %dma_start3A_59 = tpu.memref_slice %arg3[%run_scoped3A_5, %mul3A_4] : memref<2x320000xi32, #tpu.memory_space<hbm>> -> memref<1x10000xi32, #tpu.memory_space<hbm>>
      %dma_start3A_60 = tpu.memref_squeeze %dma_start3A_59 : memref<1x10000xi32, #tpu.memory_space<hbm>> -> memref<10000xi32, #tpu.memory_space<hbm>>
      %dma_start3A_61 = tpu.memref_slice %arg3[%run_scoped3A_5, %mul3A_4] : memref<2x320000xi32, #tpu.memory_space<hbm>> -> memref<1x10000xi32, #tpu.memory_space<hbm>>
      %dma_start3A_62 = tpu.memref_squeeze %dma_start3A_61 : memref<1x10000xi32, #tpu.memory_space<hbm>> -> memref<10000xi32, #tpu.memory_space<hbm>>
      tpu.enqueue_dma source(%dma_start3A_62 : memref<10000xi32, #tpu.memory_space<hbm>>) target(%arg7 : memref<10000xi32, #tpu.memory_space<vmem>>) target_semaphore(%run_scoped3A_58 : memref<!tpu.dma_semaphore, #tpu.memory_space<semaphore_mem>>)
      %dma_wait3A_63 = tpu.memref_slice %arg3[%run_scoped3A_5, %mul3A_4] : memref<2x320000xi32, #tpu.memory_space<hbm>> -> memref<1x10000xi32, #tpu.memory_space<hbm>>
      %dma_wait3A_64 = tpu.memref_squeeze %dma_wait3A_63 : memref<1x10000xi32, #tpu.memory_space<hbm>> -> memref<10000xi32, #tpu.memory_space<hbm>>
      %dma_wait3A_65 = tpu.memref_slice %arg3[%run_scoped3A_5, %mul3A_4] : memref<2x320000xi32, #tpu.memory_space<hbm>> -> memref<1x10000xi32, #tpu.memory_space<hbm>>
      %dma_wait3A_66 = tpu.memref_squeeze %dma_wait3A_65 : memref<1x10000xi32, #tpu.memory_space<hbm>> -> memref<10000xi32, #tpu.memory_space<hbm>>
      tpu.wait_dma2 semaphore(%run_scoped3A_58 : memref<!tpu.dma_semaphore, #tpu.memory_space<semaphore_mem>>) src(%dma_wait3A_66 : memref<10000xi32, #tpu.memory_space<hbm>>) dst(%arg7 : memref<10000xi32, #tpu.memory_space<vmem>>)
      tpu.yield
    }) : () -> ()
    %barrier3A = arith.constant 0 : index
    tpu.barrier barrier_id(%barrier3A)
    %dma_start3A = arith.constant 0 : i32
    %dma_start3A_6 = tpu.memref_slice %arg6[%dma_start3A] : memref<10000xi32, #tpu.memory_space<vmem>> -> memref<128xi32, #tpu.memory_space<vmem>>
    %dma_start3A_7 = arith.constant 0 : i32
    %dma_start3A_8 = arith.constant 0 : i32
    %dma_start3A_9 = tpu.memref_slice %arg2[%dma_start3A_7, %dma_start3A_8] : memref<10240x16xf32, #tpu.memory_space<hbm>> -> memref<10240x16xf32, #tpu.memory_space<hbm>>
    tpu.enqueue_indirect_dma source(%dma_start3A_9 : memref<10240x16xf32, #tpu.memory_space<hbm>>) target(%arg8 : memref<128x16xf32, #tpu.memory_space<vmem>>) offsets(%dma_start3A_6 : memref<128xi32, #tpu.memory_space<vmem>>) semaphore(%arg13 : memref<!tpu.dma_semaphore, #tpu.memory_space<semaphore_mem>>)
    %dma_start3A_10 = arith.constant 128 : i32
    %dma_start3A_11 = tpu.memref_slice %arg6[%dma_start3A_10] : memref<10000xi32, #tpu.memory_space<vmem>> -> memref<128xi32, #tpu.memory_space<vmem>>
    %dma_start3A_12 = arith.constant 0 : i32
    %dma_start3A_13 = arith.constant 0 : i32
    %dma_start3A_14 = tpu.memref_slice %arg2[%dma_start3A_12, %dma_start3A_13] : memref<10240x16xf32, #tpu.memory_space<hbm>> -> memref<10240x16xf32, #tpu.memory_space<hbm>>
    tpu.enqueue_indirect_dma source(%dma_start3A_14 : memref<10240x16xf32, #tpu.memory_space<hbm>>) target(%arg9 : memref<128x16xf32, #tpu.memory_space<vmem>>) offsets(%dma_start3A_11 : memref<128xi32, #tpu.memory_space<vmem>>) semaphore(%arg14 : memref<!tpu.dma_semaphore, #tpu.memory_space<semaphore_mem>>)
    %dma_start3A_15 = arith.constant 256 : i32
    %dma_start3A_16 = tpu.memref_slice %arg6[%dma_start3A_15] : memref<10000xi32, #tpu.memory_space<vmem>> -> memref<128xi32, #tpu.memory_space<vmem>>
    %dma_start3A_17 = arith.constant 0 : i32
    %dma_start3A_18 = arith.constant 0 : i32
    %dma_start3A_19 = tpu.memref_slice %arg2[%dma_start3A_17, %dma_start3A_18] : memref<10240x16xf32, #tpu.memory_space<hbm>> -> memref<10240x16xf32, #tpu.memory_space<hbm>>
    tpu.enqueue_indirect_dma source(%dma_start3A_19 : memref<10240x16xf32, #tpu.memory_space<hbm>>) target(%arg10 : memref<128x16xf32, #tpu.memory_space<vmem>>) offsets(%dma_start3A_16 : memref<128xi32, #tpu.memory_space<vmem>>) semaphore(%arg15 : memref<!tpu.dma_semaphore, #tpu.memory_space<semaphore_mem>>)
    %dma_start3A_20 = arith.constant 384 : i32
    %dma_start3A_21 = tpu.memref_slice %arg6[%dma_start3A_20] : memref<10000xi32, #tpu.memory_space<vmem>> -> memref<128xi32, #tpu.memory_space<vmem>>
    %dma_start3A_22 = arith.constant 0 : i32
    %dma_start3A_23 = arith.constant 0 : i32
    %dma_start3A_24 = tpu.memref_slice %arg2[%dma_start3A_22, %dma_start3A_23] : memref<10240x16xf32, #tpu.memory_space<hbm>> -> memref<10240x16xf32, #tpu.memory_space<hbm>>
    tpu.enqueue_indirect_dma source(%dma_start3A_24 : memref<10240x16xf32, #tpu.memory_space<hbm>>) target(%arg11 : memref<128x16xf32, #tpu.memory_space<vmem>>) offsets(%dma_start3A_21 : memref<128xi32, #tpu.memory_space<vmem>>) semaphore(%arg16 : memref<!tpu.dma_semaphore, #tpu.memory_space<semaphore_mem>>)
    %scan3A = arith.constant 0 : i32
    %scan3A_25 = arith.constant 0 : i32
    %scan3A_26 = arith.constant 19 : i32
    %scan3A_27 = arith.addi %scan3A_25, %scan3A_26 : i32
    %scan3A_28 = arith.constant 1 : i32
    scf.for %scan3A_58 = %scan3A_25 to %scan3A_27 step %scan3A_28  : i32 {
      %mul3A_59 = arith.constant 4 : i32
      %mul3A_60 = arith.muli %mul3A_59, %scan3A_58 : i32
      %dma_wait3A_61 = arith.constant 0 : i32
      %dma_wait3A_62 = arith.constant 0 : i32
      %dma_wait3A_63 = tpu.memref_slice %arg2[%dma_wait3A_61, %dma_wait3A_62] : memref<10240x16xf32, #tpu.memory_space<hbm>> -> memref<128x16xf32, #tpu.memory_space<hbm>>
      %dma_wait3A_64 = arith.constant 0 : i32
      %dma_wait3A_65 = arith.constant 0 : i32
      %dma_wait3A_66 = tpu.memref_slice %arg2[%dma_wait3A_64, %dma_wait3A_65] : memref<10240x16xf32, #tpu.memory_space<hbm>> -> memref<128x16xf32, #tpu.memory_space<hbm>>
      tpu.wait_dma2 semaphore(%arg13 : memref<!tpu.dma_semaphore, #tpu.memory_space<semaphore_mem>>) src(%dma_wait3A_66 : memref<128x16xf32, #tpu.memory_space<hbm>>) dst(%arg8 : memref<128x16xf32, #tpu.memory_space<vmem>>)
      %add3A_67 = arith.constant 0 : i32
      %add3A_68 = arith.addi %mul3A_60, %add3A_67 : i32
      %mul3A_69 = arith.constant 128 : i32
      %mul3A_70 = arith.muli %add3A_68, %mul3A_69 : i32
      "tpu.region"() ({
        %run_scoped3A_134 = tpu.sem_alloc : memref<!tpu.dma_semaphore, #tpu.memory_space<semaphore_mem>>
        %dma_start3A_135 = tpu.memref_slice %arg7[%mul3A_70] : memref<10000xi32, #tpu.memory_space<vmem>> -> memref<128xi32, #tpu.memory_space<vmem>>
        %dma_start3A_136 = arith.constant 0 : i32
        %dma_start3A_137 = arith.constant 0 : i32
        %dma_start3A_138 = tpu.memref_slice %arg12[%dma_start3A_136, %dma_start3A_137] : memref<10240x16xf32, #tpu.memory_space<vmem_shared>> -> memref<10240x16xf32, #tpu.memory_space<vmem_shared>>
        tpu.enqueue_indirect_dma source(%arg8 : memref<128x16xf32, #tpu.memory_space<vmem>>) target(%dma_start3A_138 : memref<10240x16xf32, #tpu.memory_space<vmem_shared>>) offsets(%dma_start3A_135 : memref<128xi32, #tpu.memory_space<vmem>>) semaphore(%run_scoped3A_134 : memref<!tpu.dma_semaphore, #tpu.memory_space<semaphore_mem>>) {add = true}
        %dma_wait3A_139 = tpu.memref_slice %arg7[%mul3A_70] : memref<10000xi32, #tpu.memory_space<vmem>> -> memref<128xi32, #tpu.memory_space<vmem>>
        %dma_wait3A_140 = arith.constant 0 : i32
        %dma_wait3A_141 = arith.constant 0 : i32
        %dma_wait3A_142 = tpu.memref_slice %arg12[%dma_wait3A_140, %dma_wait3A_141] : memref<10240x16xf32, #tpu.memory_space<vmem_shared>> -> memref<10240x16xf32, #tpu.memory_space<vmem_shared>>
        tpu.wait_indirect_dma semaphore(%run_scoped3A_134 : memref<!tpu.dma_semaphore, #tpu.memory_space<semaphore_mem>>) src(%arg8 : memref<128x16xf32, #tpu.memory_space<vmem>>) dst(%dma_wait3A_142 : memref<10240x16xf32, #tpu.memory_space<vmem_shared>>)
        tpu.yield
      }) : () -> ()
      %add3A_71 = arith.constant 0 : i32
      %add3A_72 = arith.addi %mul3A_60, %add3A_71 : i32
      %add3A_73 = arith.constant 4 : i32
      %add3A_74 = arith.addi %add3A_72, %add3A_73 : i32
      %lt3A = arith.constant 78 : i32
      %lt3A_75 = arith.cmpi slt, %add3A_74, %lt3A : i32
      %convert_element_type3A = arith.extui %lt3A_75 : i1 to i32
      %cond3A = arith.constant 0 : i32
      %cond3A_76 = arith.cmpi ne, %convert_element_type3A, %cond3A : i32
      scf.if %cond3A_76 {
        %add3A_134 = arith.constant 0 : i32
        %add3A_135 = arith.addi %mul3A_60, %add3A_134 : i32
        %add3A_136 = arith.constant 4 : i32
        %add3A_137 = arith.addi %add3A_135, %add3A_136 : i32
        %mul3A_138 = arith.constant 128 : i32
        %mul3A_139 = arith.muli %add3A_137, %mul3A_138 : i32
        %dma_start3A_140 = tpu.memref_slice %arg6[%mul3A_139] : memref<10000xi32, #tpu.memory_space<vmem>> -> memref<128xi32, #tpu.memory_space<vmem>>
        %dma_start3A_141 = arith.constant 0 : i32
        %dma_start3A_142 = arith.constant 0 : i32
        %dma_start3A_143 = tpu.memref_slice %arg2[%dma_start3A_141, %dma_start3A_142] : memref<10240x16xf32, #tpu.memory_space<hbm>> -> memref<10240x16xf32, #tpu.memory_space<hbm>>
        tpu.enqueue_indirect_dma source(%dma_start3A_143 : memref<10240x16xf32, #tpu.memory_space<hbm>>) target(%arg8 : memref<128x16xf32, #tpu.memory_space<vmem>>) offsets(%dma_start3A_140 : memref<128xi32, #tpu.memory_space<vmem>>) semaphore(%arg13 : memref<!tpu.dma_semaphore, #tpu.memory_space<semaphore_mem>>)
      } else {
      }
      %dma_wait3A_77 = arith.constant 0 : i32
      %dma_wait3A_78 = arith.constant 0 : i32
      %dma_wait3A_79 = tpu.memref_slice %arg2[%dma_wait3A_77, %dma_wait3A_78] : memref<10240x16xf32, #tpu.memory_space<hbm>> -> memref<128x16xf32, #tpu.memory_space<hbm>>
      %dma_wait3A_80 = arith.constant 0 : i32
      %dma_wait3A_81 = arith.constant 0 : i32
      %dma_wait3A_82 = tpu.memref_slice %arg2[%dma_wait3A_80, %dma_wait3A_81] : memref<10240x16xf32, #tpu.memory_space<hbm>> -> memref<128x16xf32, #tpu.memory_space<hbm>>
      tpu.wait_dma2 semaphore(%arg14 : memref<!tpu.dma_semaphore, #tpu.memory_space<semaphore_mem>>) src(%dma_wait3A_82 : memref<128x16xf32, #tpu.memory_space<hbm>>) dst(%arg9 : memref<128x16xf32, #tpu.memory_space<vmem>>)
      %add3A_83 = arith.constant 1 : i32
      %add3A_84 = arith.addi %mul3A_60, %add3A_83 : i32
      %mul3A_85 = arith.constant 128 : i32
      %mul3A_86 = arith.muli %add3A_84, %mul3A_85 : i32
      "tpu.region"() ({
        %run_scoped3A_134 = tpu.sem_alloc : memref<!tpu.dma_semaphore, #tpu.memory_space<semaphore_mem>>
        %dma_start3A_135 = tpu.memref_slice %arg7[%mul3A_86] : memref<10000xi32, #tpu.memory_space<vmem>> -> memref<128xi32, #tpu.memory_space<vmem>>
        %dma_start3A_136 = arith.constant 0 : i32
        %dma_start3A_137 = arith.constant 0 : i32
        %dma_start3A_138 = tpu.memref_slice %arg12[%dma_start3A_136, %dma_start3A_137] : memref<10240x16xf32, #tpu.memory_space<vmem_shared>> -> memref<10240x16xf32, #tpu.memory_space<vmem_shared>>
        tpu.enqueue_indirect_dma source(%arg9 : memref<128x16xf32, #tpu.memory_space<vmem>>) target(%dma_start3A_138 : memref<10240x16xf32, #tpu.memory_space<vmem_shared>>) offsets(%dma_start3A_135 : memref<128xi32, #tpu.memory_space<vmem>>) semaphore(%run_scoped3A_134 : memref<!tpu.dma_semaphore, #tpu.memory_space<semaphore_mem>>) {add = true}
        %dma_wait3A_139 = tpu.memref_slice %arg7[%mul3A_86] : memref<10000xi32, #tpu.memory_space<vmem>> -> memref<128xi32, #tpu.memory_space<vmem>>
        %dma_wait3A_140 = arith.constant 0 : i32
        %dma_wait3A_141 = arith.constant 0 : i32
        %dma_wait3A_142 = tpu.memref_slice %arg12[%dma_wait3A_140, %dma_wait3A_141] : memref<10240x16xf32, #tpu.memory_space<vmem_shared>> -> memref<10240x16xf32, #tpu.memory_space<vmem_shared>>
        tpu.wait_indirect_dma semaphore(%run_scoped3A_134 : memref<!tpu.dma_semaphore, #tpu.memory_space<semaphore_mem>>) src(%arg9 : memref<128x16xf32, #tpu.memory_space<vmem>>) dst(%dma_wait3A_142 : memref<10240x16xf32, #tpu.memory_space<vmem_shared>>)
        tpu.yield
      }) : () -> ()
      %add3A_87 = arith.constant 1 : i32
      %add3A_88 = arith.addi %mul3A_60, %add3A_87 : i32
      %add3A_89 = arith.constant 4 : i32
      %add3A_90 = arith.addi %add3A_88, %add3A_89 : i32
      %lt3A_91 = arith.constant 78 : i32
      %lt3A_92 = arith.cmpi slt, %add3A_90, %lt3A_91 : i32
      %convert_element_type3A_93 = arith.extui %lt3A_92 : i1 to i32
      %cond3A_94 = arith.constant 0 : i32
      %cond3A_95 = arith.cmpi ne, %convert_element_type3A_93, %cond3A_94 : i32
      scf.if %cond3A_95 {
        %add3A_134 = arith.constant 1 : i32
        %add3A_135 = arith.addi %mul3A_60, %add3A_134 : i32
        %add3A_136 = arith.constant 4 : i32
        %add3A_137 = arith.addi %add3A_135, %add3A_136 : i32
        %mul3A_138 = arith.constant 128 : i32
        %mul3A_139 = arith.muli %add3A_137, %mul3A_138 : i32
        %dma_start3A_140 = tpu.memref_slice %arg6[%mul3A_139] : memref<10000xi32, #tpu.memory_space<vmem>> -> memref<128xi32, #tpu.memory_space<vmem>>
        %dma_start3A_141 = arith.constant 0 : i32
        %dma_start3A_142 = arith.constant 0 : i32
        %dma_start3A_143 = tpu.memref_slice %arg2[%dma_start3A_141, %dma_start3A_142] : memref<10240x16xf32, #tpu.memory_space<hbm>> -> memref<10240x16xf32, #tpu.memory_space<hbm>>
        tpu.enqueue_indirect_dma source(%dma_start3A_143 : memref<10240x16xf32, #tpu.memory_space<hbm>>) target(%arg9 : memref<128x16xf32, #tpu.memory_space<vmem>>) offsets(%dma_start3A_140 : memref<128xi32, #tpu.memory_space<vmem>>) semaphore(%arg14 : memref<!tpu.dma_semaphore, #tpu.memory_space<semaphore_mem>>)
      } else {
      }
      %dma_wait3A_96 = arith.constant 0 : i32
      %dma_wait3A_97 = arith.constant 0 : i32
      %dma_wait3A_98 = tpu.memref_slice %arg2[%dma_wait3A_96, %dma_wait3A_97] : memref<10240x16xf32, #tpu.memory_space<hbm>> -> memref<128x16xf32, #tpu.memory_space<hbm>>
      %dma_wait3A_99 = arith.constant 0 : i32
      %dma_wait3A_100 = arith.constant 0 : i32
      %dma_wait3A_101 = tpu.memref_slice %arg2[%dma_wait3A_99, %dma_wait3A_100] : memref<10240x16xf32, #tpu.memory_space<hbm>> -> memref<128x16xf32, #tpu.memory_space<hbm>>
      tpu.wait_dma2 semaphore(%arg15 : memref<!tpu.dma_semaphore, #tpu.memory_space<semaphore_mem>>) src(%dma_wait3A_101 : memref<128x16xf32, #tpu.memory_space<hbm>>) dst(%arg10 : memref<128x16xf32, #tpu.memory_space<vmem>>)
      %add3A_102 = arith.constant 2 : i32
      %add3A_103 = arith.addi %mul3A_60, %add3A_102 : i32
      %mul3A_104 = arith.constant 128 : i32
      %mul3A_105 = arith.muli %add3A_103, %mul3A_104 : i32
      "tpu.region"() ({
        %run_scoped3A_134 = tpu.sem_alloc : memref<!tpu.dma_semaphore, #tpu.memory_space<semaphore_mem>>
        %dma_start3A_135 = tpu.memref_slice %arg7[%mul3A_105] : memref<10000xi32, #tpu.memory_space<vmem>> -> memref<128xi32, #tpu.memory_space<vmem>>
        %dma_start3A_136 = arith.constant 0 : i32
        %dma_start3A_137 = arith.constant 0 : i32
        %dma_start3A_138 = tpu.memref_slice %arg12[%dma_start3A_136, %dma_start3A_137] : memref<10240x16xf32, #tpu.memory_space<vmem_shared>> -> memref<10240x16xf32, #tpu.memory_space<vmem_shared>>
        tpu.enqueue_indirect_dma source(%arg10 : memref<128x16xf32, #tpu.memory_space<vmem>>) target(%dma_start3A_138 : memref<10240x16xf32, #tpu.memory_space<vmem_shared>>) offsets(%dma_start3A_135 : memref<128xi32, #tpu.memory_space<vmem>>) semaphore(%run_scoped3A_134 : memref<!tpu.dma_semaphore, #tpu.memory_space<semaphore_mem>>) {add = true}
        %dma_wait3A_139 = tpu.memref_slice %arg7[%mul3A_105] : memref<10000xi32, #tpu.memory_space<vmem>> -> memref<128xi32, #tpu.memory_space<vmem>>
        %dma_wait3A_140 = arith.constant 0 : i32
        %dma_wait3A_141 = arith.constant 0 : i32
        %dma_wait3A_142 = tpu.memref_slice %arg12[%dma_wait3A_140, %dma_wait3A_141] : memref<10240x16xf32, #tpu.memory_space<vmem_shared>> -> memref<10240x16xf32, #tpu.memory_space<vmem_shared>>
        tpu.wait_indirect_dma semaphore(%run_scoped3A_134 : memref<!tpu.dma_semaphore, #tpu.memory_space<semaphore_mem>>) src(%arg10 : memref<128x16xf32, #tpu.memory_space<vmem>>) dst(%dma_wait3A_142 : memref<10240x16xf32, #tpu.memory_space<vmem_shared>>)
        tpu.yield
      }) : () -> ()
      %add3A_106 = arith.constant 2 : i32
      %add3A_107 = arith.addi %mul3A_60, %add3A_106 : i32
      %add3A_108 = arith.constant 4 : i32
      %add3A_109 = arith.addi %add3A_107, %add3A_108 : i32
      %lt3A_110 = arith.constant 78 : i32
      %lt3A_111 = arith.cmpi slt, %add3A_109, %lt3A_110 : i32
      %convert_element_type3A_112 = arith.extui %lt3A_111 : i1 to i32
      %cond3A_113 = arith.constant 0 : i32
      %cond3A_114 = arith.cmpi ne, %convert_element_type3A_112, %cond3A_113 : i32
      scf.if %cond3A_114 {
        %add3A_134 = arith.constant 2 : i32
        %add3A_135 = arith.addi %mul3A_60, %add3A_134 : i32
        %add3A_136 = arith.constant 4 : i32
        %add3A_137 = arith.addi %add3A_135, %add3A_136 : i32
        %mul3A_138 = arith.constant 128 : i32
        %mul3A_139 = arith.muli %add3A_137, %mul3A_138 : i32
        %dma_start3A_140 = tpu.memref_slice %arg6[%mul3A_139] : memref<10000xi32, #tpu.memory_space<vmem>> -> memref<128xi32, #tpu.memory_space<vmem>>
        %dma_start3A_141 = arith.constant 0 : i32
        %dma_start3A_142 = arith.constant 0 : i32
        %dma_start3A_143 = tpu.memref_slice %arg2[%dma_start3A_141, %dma_start3A_142] : memref<10240x16xf32, #tpu.memory_space<hbm>> -> memref<10240x16xf32, #tpu.memory_space<hbm>>
        tpu.enqueue_indirect_dma source(%dma_start3A_143 : memref<10240x16xf32, #tpu.memory_space<hbm>>) target(%arg10 : memref<128x16xf32, #tpu.memory_space<vmem>>) offsets(%dma_start3A_140 : memref<128xi32, #tpu.memory_space<vmem>>) semaphore(%arg15 : memref<!tpu.dma_semaphore, #tpu.memory_space<semaphore_mem>>)
      } else {
      }
      %dma_wait3A_115 = arith.constant 0 : i32
      %dma_wait3A_116 = arith.constant 0 : i32
      %dma_wait3A_117 = tpu.memref_slice %arg2[%dma_wait3A_115, %dma_wait3A_116] : memref<10240x16xf32, #tpu.memory_space<hbm>> -> memref<128x16xf32, #tpu.memory_space<hbm>>
      %dma_wait3A_118 = arith.constant 0 : i32
      %dma_wait3A_119 = arith.constant 0 : i32
      %dma_wait3A_120 = tpu.memref_slice %arg2[%dma_wait3A_118, %dma_wait3A_119] : memref<10240x16xf32, #tpu.memory_space<hbm>> -> memref<128x16xf32, #tpu.memory_space<hbm>>
      tpu.wait_dma2 semaphore(%arg16 : memref<!tpu.dma_semaphore, #tpu.memory_space<semaphore_mem>>) src(%dma_wait3A_120 : memref<128x16xf32, #tpu.memory_space<hbm>>) dst(%arg11 : memref<128x16xf32, #tpu.memory_space<vmem>>)
      %add3A_121 = arith.constant 3 : i32
      %add3A_122 = arith.addi %mul3A_60, %add3A_121 : i32
      %mul3A_123 = arith.constant 128 : i32
      %mul3A_124 = arith.muli %add3A_122, %mul3A_123 : i32
      "tpu.region"() ({
        %run_scoped3A_134 = tpu.sem_alloc : memref<!tpu.dma_semaphore, #tpu.memory_space<semaphore_mem>>
        %dma_start3A_135 = tpu.memref_slice %arg7[%mul3A_124] : memref<10000xi32, #tpu.memory_space<vmem>> -> memref<128xi32, #tpu.memory_space<vmem>>
        %dma_start3A_136 = arith.constant 0 : i32
        %dma_start3A_137 = arith.constant 0 : i32
        %dma_start3A_138 = tpu.memref_slice %arg12[%dma_start3A_136, %dma_start3A_137] : memref<10240x16xf32, #tpu.memory_space<vmem_shared>> -> memref<10240x16xf32, #tpu.memory_space<vmem_shared>>
        tpu.enqueue_indirect_dma source(%arg11 : memref<128x16xf32, #tpu.memory_space<vmem>>) target(%dma_start3A_138 : memref<10240x16xf32, #tpu.memory_space<vmem_shared>>) offsets(%dma_start3A_135 : memref<128xi32, #tpu.memory_space<vmem>>) semaphore(%run_scoped3A_134 : memref<!tpu.dma_semaphore, #tpu.memory_space<semaphore_mem>>) {add = true}
        %dma_wait3A_139 = tpu.memref_slice %arg7[%mul3A_124] : memref<10000xi32, #tpu.memory_space<vmem>> -> memref<128xi32, #tpu.memory_space<vmem>>
        %dma_wait3A_140 = arith.constant 0 : i32
        %dma_wait3A_141 = arith.constant 0 : i32
        %dma_wait3A_142 = tpu.memref_slice %arg12[%dma_wait3A_140, %dma_wait3A_141] : memref<10240x16xf32, #tpu.memory_space<vmem_shared>> -> memref<10240x16xf32, #tpu.memory_space<vmem_shared>>
        tpu.wait_indirect_dma semaphore(%run_scoped3A_134 : memref<!tpu.dma_semaphore, #tpu.memory_space<semaphore_mem>>) src(%arg11 : memref<128x16xf32, #tpu.memory_space<vmem>>) dst(%dma_wait3A_142 : memref<10240x16xf32, #tpu.memory_space<vmem_shared>>)
        tpu.yield
      }) : () -> ()
      %add3A_125 = arith.constant 3 : i32
      %add3A_126 = arith.addi %mul3A_60, %add3A_125 : i32
      %add3A_127 = arith.constant 4 : i32
      %add3A_128 = arith.addi %add3A_126, %add3A_127 : i32
      %lt3A_129 = arith.constant 78 : i32
      %lt3A_130 = arith.cmpi slt, %add3A_128, %lt3A_129 : i32
      %convert_element_type3A_131 = arith.extui %lt3A_130 : i1 to i32
      %cond3A_132 = arith.constant 0 : i32
      %cond3A_133 = arith.cmpi ne, %convert_element_type3A_131, %cond3A_132 : i32
      scf.if %cond3A_133 {
        %add3A_134 = arith.constant 3 : i32
        %add3A_135 = arith.addi %mul3A_60, %add3A_134 : i32
        %add3A_136 = arith.constant 4 : i32
        %add3A_137 = arith.addi %add3A_135, %add3A_136 : i32
        %mul3A_138 = arith.constant 128 : i32
        %mul3A_139 = arith.muli %add3A_137, %mul3A_138 : i32
        %dma_start3A_140 = tpu.memref_slice %arg6[%mul3A_139] : memref<10000xi32, #tpu.memory_space<vmem>> -> memref<128xi32, #tpu.memory_space<vmem>>
        %dma_start3A_141 = arith.constant 0 : i32
        %dma_start3A_142 = arith.constant 0 : i32
        %dma_start3A_143 = tpu.memref_slice %arg2[%dma_start3A_141, %dma_start3A_142] : memref<10240x16xf32, #tpu.memory_space<hbm>> -> memref<10240x16xf32, #tpu.memory_space<hbm>>
        tpu.enqueue_indirect_dma source(%dma_start3A_143 : memref<10240x16xf32, #tpu.memory_space<hbm>>) target(%arg11 : memref<128x16xf32, #tpu.memory_space<vmem>>) offsets(%dma_start3A_140 : memref<128xi32, #tpu.memory_space<vmem>>) semaphore(%arg16 : memref<!tpu.dma_semaphore, #tpu.memory_space<semaphore_mem>>)
      } else {
      }
    }
    %scan3A_29 = arith.constant 19 : i32
    %dma_wait3A = arith.constant 0 : i32
    %dma_wait3A_30 = arith.constant 0 : i32
    %dma_wait3A_31 = tpu.memref_slice %arg2[%dma_wait3A, %dma_wait3A_30] : memref<10240x16xf32, #tpu.memory_space<hbm>> -> memref<128x16xf32, #tpu.memory_space<hbm>>
    %dma_wait3A_32 = arith.constant 0 : i32
    %dma_wait3A_33 = arith.constant 0 : i32
    %dma_wait3A_34 = tpu.memref_slice %arg2[%dma_wait3A_32, %dma_wait3A_33] : memref<10240x16xf32, #tpu.memory_space<hbm>> -> memref<128x16xf32, #tpu.memory_space<hbm>>
    tpu.wait_dma2 semaphore(%arg13 : memref<!tpu.dma_semaphore, #tpu.memory_space<semaphore_mem>>) src(%dma_wait3A_34 : memref<128x16xf32, #tpu.memory_space<hbm>>) dst(%arg8 : memref<128x16xf32, #tpu.memory_space<vmem>>)
    "tpu.region"() ({
      %run_scoped3A_58 = tpu.sem_alloc : memref<!tpu.dma_semaphore, #tpu.memory_space<semaphore_mem>>
      %dma_start3A_59 = arith.constant 9728 : i32
      %dma_start3A_60 = tpu.memref_slice %arg7[%dma_start3A_59] : memref<10000xi32, #tpu.memory_space<vmem>> -> memref<128xi32, #tpu.memory_space<vmem>>
      %dma_start3A_61 = arith.constant 0 : i32
      %dma_start3A_62 = arith.constant 0 : i32
      %dma_start3A_63 = tpu.memref_slice %arg12[%dma_start3A_61, %dma_start3A_62] : memref<10240x16xf32, #tpu.memory_space<vmem_shared>> -> memref<10240x16xf32, #tpu.memory_space<vmem_shared>>
      tpu.enqueue_indirect_dma source(%arg8 : memref<128x16xf32, #tpu.memory_space<vmem>>) target(%dma_start3A_63 : memref<10240x16xf32, #tpu.memory_space<vmem_shared>>) offsets(%dma_start3A_60 : memref<128xi32, #tpu.memory_space<vmem>>) semaphore(%run_scoped3A_58 : memref<!tpu.dma_semaphore, #tpu.memory_space<semaphore_mem>>) {add = true}
      %dma_wait3A_64 = arith.constant 9728 : i32
      %dma_wait3A_65 = tpu.memref_slice %arg7[%dma_wait3A_64] : memref<10000xi32, #tpu.memory_space<vmem>> -> memref<128xi32, #tpu.memory_space<vmem>>
      %dma_wait3A_66 = arith.constant 0 : i32
      %dma_wait3A_67 = arith.constant 0 : i32
      %dma_wait3A_68 = tpu.memref_slice %arg12[%dma_wait3A_66, %dma_wait3A_67] : memref<10240x16xf32, #tpu.memory_space<vmem_shared>> -> memref<10240x16xf32, #tpu.memory_space<vmem_shared>>
      tpu.wait_indirect_dma semaphore(%run_scoped3A_58 : memref<!tpu.dma_semaphore, #tpu.memory_space<semaphore_mem>>) src(%arg8 : memref<128x16xf32, #tpu.memory_space<vmem>>) dst(%dma_wait3A_68 : memref<10240x16xf32, #tpu.memory_space<vmem_shared>>)
      tpu.yield
    }) : () -> ()
    %dma_wait3A_35 = arith.constant 0 : i32
    %dma_wait3A_36 = arith.constant 0 : i32
    %dma_wait3A_37 = tpu.memref_slice %arg2[%dma_wait3A_35, %dma_wait3A_36] : memref<10240x16xf32, #tpu.memory_space<hbm>> -> memref<128x16xf32, #tpu.memory_space<hbm>>
    %dma_wait3A_38 = arith.constant 0 : i32
    %dma_wait3A_39 = arith.constant 0 : i32
    %dma_wait3A_40 = tpu.memref_slice %arg2[%dma_wait3A_38, %dma_wait3A_39] : memref<10240x16xf32, #tpu.memory_space<hbm>> -> memref<128x16xf32, #tpu.memory_space<hbm>>
    tpu.wait_dma2 semaphore(%arg14 : memref<!tpu.dma_semaphore, #tpu.memory_space<semaphore_mem>>) src(%dma_wait3A_40 : memref<128x16xf32, #tpu.memory_space<hbm>>) dst(%arg9 : memref<128x16xf32, #tpu.memory_space<vmem>>)
    "tpu.region"() ({
      %run_scoped3A_58 = tpu.sem_alloc : memref<!tpu.dma_semaphore, #tpu.memory_space<semaphore_mem>>
      %dma_start3A_59 = arith.constant 9856 : i32
      %dma_start3A_60 = tpu.memref_slice %arg7[%dma_start3A_59] : memref<10000xi32, #tpu.memory_space<vmem>> -> memref<128xi32, #tpu.memory_space<vmem>>
      %dma_start3A_61 = arith.constant 0 : i32
      %dma_start3A_62 = arith.constant 0 : i32
      %dma_start3A_63 = tpu.memref_slice %arg12[%dma_start3A_61, %dma_start3A_62] : memref<10240x16xf32, #tpu.memory_space<vmem_shared>> -> memref<10240x16xf32, #tpu.memory_space<vmem_shared>>
      tpu.enqueue_indirect_dma source(%arg9 : memref<128x16xf32, #tpu.memory_space<vmem>>) target(%dma_start3A_63 : memref<10240x16xf32, #tpu.memory_space<vmem_shared>>) offsets(%dma_start3A_60 : memref<128xi32, #tpu.memory_space<vmem>>) semaphore(%run_scoped3A_58 : memref<!tpu.dma_semaphore, #tpu.memory_space<semaphore_mem>>) {add = true}
      %dma_wait3A_64 = arith.constant 9856 : i32
      %dma_wait3A_65 = tpu.memref_slice %arg7[%dma_wait3A_64] : memref<10000xi32, #tpu.memory_space<vmem>> -> memref<128xi32, #tpu.memory_space<vmem>>
      %dma_wait3A_66 = arith.constant 0 : i32
      %dma_wait3A_67 = arith.constant 0 : i32
      %dma_wait3A_68 = tpu.memref_slice %arg12[%dma_wait3A_66, %dma_wait3A_67] : memref<10240x16xf32, #tpu.memory_space<vmem_shared>> -> memref<10240x16xf32, #tpu.memory_space<vmem_shared>>
      tpu.wait_indirect_dma semaphore(%run_scoped3A_58 : memref<!tpu.dma_semaphore, #tpu.memory_space<semaphore_mem>>) src(%arg9 : memref<128x16xf32, #tpu.memory_space<vmem>>) dst(%dma_wait3A_68 : memref<10240x16xf32, #tpu.memory_space<vmem_shared>>)
      tpu.yield
    }) : () -> ()
    %dma_start3A_41 = arith.constant 0 : i32
    %dma_start3A_42 = arith.constant 0 : i32
    %dma_start3A_43 = tpu.memref_slice %arg8[%dma_start3A_41, %dma_start3A_42] : memref<128x16xf32, #tpu.memory_space<vmem>> -> memref<16x16xf32, #tpu.memory_space<vmem>>
    %dma_start3A_44 = arith.constant 9984 : i32
    %dma_start3A_45 = tpu.memref_slice %arg6[%dma_start3A_44] : memref<10000xi32, #tpu.memory_space<vmem>> -> memref<16xi32, #tpu.memory_space<vmem>>
    %dma_start3A_46 = arith.constant 0 : i32
    %dma_start3A_47 = arith.constant 0 : i32
    %dma_start3A_48 = tpu.memref_slice %arg2[%dma_start3A_46, %dma_start3A_47] : memref<10240x16xf32, #tpu.memory_space<hbm>> -> memref<10240x16xf32, #tpu.memory_space<hbm>>
    tpu.enqueue_indirect_dma source(%dma_start3A_48 : memref<10240x16xf32, #tpu.memory_space<hbm>>) target(%dma_start3A_43 : memref<16x16xf32, #tpu.memory_space<vmem>>) offsets(%dma_start3A_45 : memref<16xi32, #tpu.memory_space<vmem>>) semaphore(%arg13 : memref<!tpu.dma_semaphore, #tpu.memory_space<semaphore_mem>>)
    %dma_wait3A_49 = arith.constant 0 : i32
    %dma_wait3A_50 = arith.constant 0 : i32
    %dma_wait3A_51 = tpu.memref_slice %arg8[%dma_wait3A_49, %dma_wait3A_50] : memref<128x16xf32, #tpu.memory_space<vmem>> -> memref<16x16xf32, #tpu.memory_space<vmem>>
    %dma_wait3A_52 = arith.constant 9984 : i32
    %dma_wait3A_53 = tpu.memref_slice %arg6[%dma_wait3A_52] : memref<10000xi32, #tpu.memory_space<vmem>> -> memref<16xi32, #tpu.memory_space<vmem>>
    %dma_wait3A_54 = arith.constant 0 : i32
    %dma_wait3A_55 = arith.constant 0 : i32
    %dma_wait3A_56 = tpu.memref_slice %arg2[%dma_wait3A_54, %dma_wait3A_55] : memref<10240x16xf32, #tpu.memory_space<hbm>> -> memref<10240x16xf32, #tpu.memory_space<hbm>>
    tpu.wait_indirect_dma semaphore(%arg13 : memref<!tpu.dma_semaphore, #tpu.memory_space<semaphore_mem>>) src(%dma_wait3A_56 : memref<10240x16xf32, #tpu.memory_space<hbm>>) dst(%dma_wait3A_51 : memref<16x16xf32, #tpu.memory_space<vmem>>)
    "tpu.region"() ({
      %run_scoped3A_58 = tpu.sem_alloc : memref<!tpu.dma_semaphore, #tpu.memory_space<semaphore_mem>>
      %dma_start3A_59 = arith.constant 0 : i32
      %dma_start3A_60 = arith.constant 0 : i32
      %dma_start3A_61 = tpu.memref_slice %arg8[%dma_start3A_59, %dma_start3A_60] : memref<128x16xf32, #tpu.memory_space<vmem>> -> memref<16x16xf32, #tpu.memory_space<vmem>>
      %dma_start3A_62 = arith.constant 9984 : i32
      %dma_start3A_63 = tpu.memref_slice %arg7[%dma_start3A_62] : memref<10000xi32, #tpu.memory_space<vmem>> -> memref<16xi32, #tpu.memory_space<vmem>>
      %dma_start3A_64 = arith.constant 0 : i32
      %dma_start3A_65 = arith.constant 0 : i32
      %dma_start3A_66 = tpu.memref_slice %arg12[%dma_start3A_64, %dma_start3A_65] : memref<10240x16xf32, #tpu.memory_space<vmem_shared>> -> memref<10240x16xf32, #tpu.memory_space<vmem_shared>>
      tpu.enqueue_indirect_dma source(%dma_start3A_61 : memref<16x16xf32, #tpu.memory_space<vmem>>) target(%dma_start3A_66 : memref<10240x16xf32, #tpu.memory_space<vmem_shared>>) offsets(%dma_start3A_63 : memref<16xi32, #tpu.memory_space<vmem>>) semaphore(%run_scoped3A_58 : memref<!tpu.dma_semaphore, #tpu.memory_space<semaphore_mem>>) {add = true}
      %dma_wait3A_67 = arith.constant 0 : i32
      %dma_wait3A_68 = arith.constant 0 : i32
      %dma_wait3A_69 = tpu.memref_slice %arg8[%dma_wait3A_67, %dma_wait3A_68] : memref<128x16xf32, #tpu.memory_space<vmem>> -> memref<16x16xf32, #tpu.memory_space<vmem>>
      %dma_wait3A_70 = arith.constant 9984 : i32
      %dma_wait3A_71 = tpu.memref_slice %arg7[%dma_wait3A_70] : memref<10000xi32, #tpu.memory_space<vmem>> -> memref<16xi32, #tpu.memory_space<vmem>>
      %dma_wait3A_72 = arith.constant 0 : i32
      %dma_wait3A_73 = arith.constant 0 : i32
      %dma_wait3A_74 = tpu.memref_slice %arg12[%dma_wait3A_72, %dma_wait3A_73] : memref<10240x16xf32, #tpu.memory_space<vmem_shared>> -> memref<10240x16xf32, #tpu.memory_space<vmem_shared>>
      tpu.wait_indirect_dma semaphore(%run_scoped3A_58 : memref<!tpu.dma_semaphore, #tpu.memory_space<semaphore_mem>>) src(%dma_wait3A_69 : memref<16x16xf32, #tpu.memory_space<vmem>>) dst(%dma_wait3A_74 : memref<10240x16xf32, #tpu.memory_space<vmem_shared>>)
      tpu.yield
    }) : () -> ()
    %barrier3A_57 = arith.constant 0 : index
    tpu.barrier barrier_id(%barrier3A_57)
    "tpu.region"() ({
      %run_scoped3A_58 = tpu.sem_alloc : memref<!tpu.dma_semaphore, #tpu.memory_space<semaphore_mem>>
      %dma_start3A_59 = arith.constant 0 : i32
      %dma_start3A_60 = tpu.memref_slice %arg5[%arg0, %mul3A_2, %dma_start3A_59] : memref<2x10240x16xf32, #tpu.memory_space<hbm>> -> memref<1x640x16xf32, #tpu.memory_space<hbm>>
      %dma_start3A_61 = tpu.memref_squeeze %dma_start3A_60 : memref<1x640x16xf32, #tpu.memory_space<hbm>> -> memref<640x16xf32, #tpu.memory_space<hbm>>
      %dma_start3A_62 = arith.constant 0 : i32
      %dma_start3A_63 = tpu.memref_slice %arg12[%mul3A_2, %dma_start3A_62] : memref<10240x16xf32, #tpu.memory_space<vmem_shared>> -> memref<640x16xf32, #tpu.memory_space<vmem_shared>>
      tpu.enqueue_dma source(%dma_start3A_63 : memref<640x16xf32, #tpu.memory_space<vmem_shared>>) target(%dma_start3A_61 : memref<640x16xf32, #tpu.memory_space<hbm>>) target_semaphore(%run_scoped3A_58 : memref<!tpu.dma_semaphore, #tpu.memory_space<semaphore_mem>>)
      %dma_wait3A_64 = arith.constant 0 : i32
      %dma_wait3A_65 = tpu.memref_slice %arg5[%arg0, %mul3A_2, %dma_wait3A_64] : memref<2x10240x16xf32, #tpu.memory_space<hbm>> -> memref<1x640x16xf32, #tpu.memory_space<hbm>>
      %dma_wait3A_66 = tpu.memref_squeeze %dma_wait3A_65 : memref<1x640x16xf32, #tpu.memory_space<hbm>> -> memref<640x16xf32, #tpu.memory_space<hbm>>
      %dma_wait3A_67 = arith.constant 0 : i32
      %dma_wait3A_68 = tpu.memref_slice %arg12[%mul3A_2, %dma_wait3A_67] : memref<10240x16xf32, #tpu.memory_space<vmem_shared>> -> memref<640x16xf32, #tpu.memory_space<vmem_shared>>
      tpu.wait_dma2 semaphore(%run_scoped3A_58 : memref<!tpu.dma_semaphore, #tpu.memory_space<semaphore_mem>>) src(%dma_wait3A_68 : memref<640x16xf32, #tpu.memory_space<vmem_shared>>) dst(%dma_wait3A_66 : memref<640x16xf32, #tpu.memory_space<hbm>>)
      tpu.yield
    }) : () -> ()
    return
  }
}

#map = affine_map<(d0, d1) -> (0, 0)>
#map1 = affine_map<(d0, d1) -> (0, 0, 0)>
module attributes {stable_mosaic.version = 14 : i64} {
  func.func @body(%arg0: i32, %arg1: i32, %arg2: memref<2x320000xi32, #tpu.memory_space<hbm>>, %arg3: memref<128x16xf32, #tpu.memory_space<hbm>>, %arg4: memref<10240x16xf32, #tpu.memory_space<hbm>>, %arg5: memref<2x10240x16xf32, #tpu.memory_space<hbm>>, %arg6: memref<10000xi32, #tpu.memory_space<vmem>>, %arg7: memref<128x16xf32, #tpu.memory_space<vmem>>, %arg8: memref<10240x16xf32, #tpu.memory_space<vmem_shared>>, %arg9: memref<!tpu.dma_semaphore, #tpu.memory_space<semaphore_mem>>) attributes {dimension_semantics = [#tpu.dimension_semantics<core_parallel>, #tpu.dimension_semantics<subcore_parallel>], iteration_bounds = array<i64: 2, 16>, scalar_prefetch = 0 : i64, scratch_operands = 4 : i64, tpu.core_type = #tpu.core_type<sc_vector_subcore>, window_params = [{transform_indices = #map}, {transform_indices = #map}, {transform_indices = #map}, {transform_indices = #map1}]} {
    %mul3A = arith.constant 16 : i32
    %mul3A_0 = arith.muli %arg0, %mul3A : i32
    %add3A = arith.addi %mul3A_0, %arg1 : i32
    %mul3A_1 = arith.constant 640 : i32
    %mul3A_2 = arith.muli %arg1, %mul3A_1 : i32
    %mul3A_3 = arith.constant 10000 : i32
    %mul3A_4 = arith.muli %add3A, %mul3A_3 : i32
    "tpu.region"() ({
      %run_scoped3A_31 = tpu.sem_alloc : memref<!tpu.dma_semaphore, #tpu.memory_space<semaphore_mem>>
      %dma_start3A_32 = arith.constant 0 : i32
      %dma_start3A_33 = tpu.memref_slice %arg8[%mul3A_2, %dma_start3A_32] : memref<10240x16xf32, #tpu.memory_space<vmem_shared>> -> memref<640x16xf32, #tpu.memory_space<vmem_shared>>
      %dma_start3A_34 = arith.constant 0 : i32
      %dma_start3A_35 = tpu.memref_slice %arg4[%mul3A_2, %dma_start3A_34] : memref<10240x16xf32, #tpu.memory_space<hbm>> -> memref<640x16xf32, #tpu.memory_space<hbm>>
      tpu.enqueue_dma source(%dma_start3A_35 : memref<640x16xf32, #tpu.memory_space<hbm>>) target(%dma_start3A_33 : memref<640x16xf32, #tpu.memory_space<vmem_shared>>) target_semaphore(%run_scoped3A_31 : memref<!tpu.dma_semaphore, #tpu.memory_space<semaphore_mem>>)
      %dma_wait3A_36 = arith.constant 0 : i32
      %dma_wait3A_37 = tpu.memref_slice %arg8[%mul3A_2, %dma_wait3A_36] : memref<10240x16xf32, #tpu.memory_space<vmem_shared>> -> memref<640x16xf32, #tpu.memory_space<vmem_shared>>
      %dma_wait3A_38 = arith.constant 0 : i32
      %dma_wait3A_39 = tpu.memref_slice %arg4[%mul3A_2, %dma_wait3A_38] : memref<10240x16xf32, #tpu.memory_space<hbm>> -> memref<640x16xf32, #tpu.memory_space<hbm>>
      tpu.wait_dma2 semaphore(%run_scoped3A_31 : memref<!tpu.dma_semaphore, #tpu.memory_space<semaphore_mem>>) src(%dma_wait3A_39 : memref<640x16xf32, #tpu.memory_space<hbm>>) dst(%dma_wait3A_37 : memref<640x16xf32, #tpu.memory_space<vmem_shared>>)
      tpu.yield
    }) : () -> ()
    %run_scoped3A = arith.constant 1 : i32
    "tpu.region"() ({
      %run_scoped3A_31 = tpu.sem_alloc : memref<!tpu.dma_semaphore, #tpu.memory_space<semaphore_mem>>
      %dma_start3A_32 = tpu.memref_slice %arg2[%run_scoped3A, %mul3A_4] : memref<2x320000xi32, #tpu.memory_space<hbm>> -> memref<1x10000xi32, #tpu.memory_space<hbm>>
      %dma_start3A_33 = tpu.memref_squeeze %dma_start3A_32 : memref<1x10000xi32, #tpu.memory_space<hbm>> -> memref<10000xi32, #tpu.memory_space<hbm>>
      %dma_start3A_34 = tpu.memref_slice %arg2[%run_scoped3A, %mul3A_4] : memref<2x320000xi32, #tpu.memory_space<hbm>> -> memref<1x10000xi32, #tpu.memory_space<hbm>>
      %dma_start3A_35 = tpu.memref_squeeze %dma_start3A_34 : memref<1x10000xi32, #tpu.memory_space<hbm>> -> memref<10000xi32, #tpu.memory_space<hbm>>
      tpu.enqueue_dma source(%dma_start3A_35 : memref<10000xi32, #tpu.memory_space<hbm>>) target(%arg6 : memref<10000xi32, #tpu.memory_space<vmem>>) target_semaphore(%run_scoped3A_31 : memref<!tpu.dma_semaphore, #tpu.memory_space<semaphore_mem>>)
      %dma_wait3A_36 = tpu.memref_slice %arg2[%run_scoped3A, %mul3A_4] : memref<2x320000xi32, #tpu.memory_space<hbm>> -> memref<1x10000xi32, #tpu.memory_space<hbm>>
      %dma_wait3A_37 = tpu.memref_squeeze %dma_wait3A_36 : memref<1x10000xi32, #tpu.memory_space<hbm>> -> memref<10000xi32, #tpu.memory_space<hbm>>
      %dma_wait3A_38 = tpu.memref_slice %arg2[%run_scoped3A, %mul3A_4] : memref<2x320000xi32, #tpu.memory_space<hbm>> -> memref<1x10000xi32, #tpu.memory_space<hbm>>
      %dma_wait3A_39 = tpu.memref_squeeze %dma_wait3A_38 : memref<1x10000xi32, #tpu.memory_space<hbm>> -> memref<10000xi32, #tpu.memory_space<hbm>>
      tpu.wait_dma2 semaphore(%run_scoped3A_31 : memref<!tpu.dma_semaphore, #tpu.memory_space<semaphore_mem>>) src(%dma_wait3A_39 : memref<10000xi32, #tpu.memory_space<hbm>>) dst(%arg6 : memref<10000xi32, #tpu.memory_space<vmem>>)
      tpu.yield
    }) : () -> ()
    "tpu.region"() ({
      %run_scoped3A_31 = tpu.sem_alloc : memref<!tpu.dma_semaphore, #tpu.memory_space<semaphore_mem>>
      tpu.enqueue_dma source(%arg3 : memref<128x16xf32, #tpu.memory_space<hbm>>) target(%arg7 : memref<128x16xf32, #tpu.memory_space<vmem>>) target_semaphore(%run_scoped3A_31 : memref<!tpu.dma_semaphore, #tpu.memory_space<semaphore_mem>>)
      tpu.wait_dma2 semaphore(%run_scoped3A_31 : memref<!tpu.dma_semaphore, #tpu.memory_space<semaphore_mem>>) src(%arg3 : memref<128x16xf32, #tpu.memory_space<hbm>>) dst(%arg7 : memref<128x16xf32, #tpu.memory_space<vmem>>)
      tpu.yield
    }) : () -> ()
    %barrier3A = arith.constant 0 : index
    tpu.barrier barrier_id(%barrier3A)
    %scan3A = arith.constant 0 : i32
    %scan3A_5 = arith.constant 0 : i32
    %scan3A_6 = arith.constant 78 : i32
    %scan3A_7 = arith.addi %scan3A_5, %scan3A_6 : i32
    %scan3A_8 = arith.constant 1 : i32
    scf.for %scan3A_31 = %scan3A_5 to %scan3A_7 step %scan3A_8  : i32 {
      %mul3A_32 = arith.constant 128 : i32
      %mul3A_33 = arith.muli %scan3A_31, %mul3A_32 : i32
      %dma_start3A_34 = tpu.memref_slice %arg6[%mul3A_33] : memref<10000xi32, #tpu.memory_space<vmem>> -> memref<128xi32, #tpu.memory_space<vmem>>
      %dma_start3A_35 = arith.constant 0 : i32
      %dma_start3A_36 = arith.constant 0 : i32
      %dma_start3A_37 = tpu.memref_slice %arg8[%dma_start3A_35, %dma_start3A_36] : memref<10240x16xf32, #tpu.memory_space<vmem_shared>> -> memref<10240x16xf32, #tpu.memory_space<vmem_shared>>
      tpu.enqueue_indirect_dma source(%arg7 : memref<128x16xf32, #tpu.memory_space<vmem>>) target(%dma_start3A_37 : memref<10240x16xf32, #tpu.memory_space<vmem_shared>>) offsets(%dma_start3A_34 : memref<128xi32, #tpu.memory_space<vmem>>) semaphore(%arg9 : memref<!tpu.dma_semaphore, #tpu.memory_space<semaphore_mem>>) {add = true}
    }
    %scan3A_9 = arith.constant 78 : i32
    %dma_start3A = arith.constant 0 : i32
    %dma_start3A_10 = arith.constant 0 : i32
    %dma_start3A_11 = tpu.memref_slice %arg7[%dma_start3A, %dma_start3A_10] : memref<128x16xf32, #tpu.memory_space<vmem>> -> memref<16x16xf32, #tpu.memory_space<vmem>>
    %dma_start3A_12 = arith.constant 9984 : i32
    %dma_start3A_13 = tpu.memref_slice %arg6[%dma_start3A_12] : memref<10000xi32, #tpu.memory_space<vmem>> -> memref<16xi32, #tpu.memory_space<vmem>>
    %dma_start3A_14 = arith.constant 0 : i32
    %dma_start3A_15 = arith.constant 0 : i32
    %dma_start3A_16 = tpu.memref_slice %arg8[%dma_start3A_14, %dma_start3A_15] : memref<10240x16xf32, #tpu.memory_space<vmem_shared>> -> memref<10240x16xf32, #tpu.memory_space<vmem_shared>>
    tpu.enqueue_indirect_dma source(%dma_start3A_11 : memref<16x16xf32, #tpu.memory_space<vmem>>) target(%dma_start3A_16 : memref<10240x16xf32, #tpu.memory_space<vmem_shared>>) offsets(%dma_start3A_13 : memref<16xi32, #tpu.memory_space<vmem>>) semaphore(%arg9 : memref<!tpu.dma_semaphore, #tpu.memory_space<semaphore_mem>>) {add = true}
    %scan3A_17 = arith.constant 0 : i32
    %scan3A_18 = arith.constant 0 : i32
    %scan3A_19 = arith.constant 78 : i32
    %scan3A_20 = arith.addi %scan3A_18, %scan3A_19 : i32
    %scan3A_21 = arith.constant 1 : i32
    scf.for %scan3A_31 = %scan3A_18 to %scan3A_20 step %scan3A_21  : i32 {
      %dma_wait3A_32 = arith.constant 0 : i32
      %dma_wait3A_33 = tpu.memref_slice %arg6[%dma_wait3A_32] : memref<10000xi32, #tpu.memory_space<vmem>> -> memref<128xi32, #tpu.memory_space<vmem>>
      %dma_wait3A_34 = arith.constant 0 : i32
      %dma_wait3A_35 = arith.constant 0 : i32
      %dma_wait3A_36 = tpu.memref_slice %arg8[%dma_wait3A_34, %dma_wait3A_35] : memref<10240x16xf32, #tpu.memory_space<vmem_shared>> -> memref<10240x16xf32, #tpu.memory_space<vmem_shared>>
      tpu.wait_indirect_dma semaphore(%arg9 : memref<!tpu.dma_semaphore, #tpu.memory_space<semaphore_mem>>) src(%arg7 : memref<128x16xf32, #tpu.memory_space<vmem>>) dst(%dma_wait3A_36 : memref<10240x16xf32, #tpu.memory_space<vmem_shared>>)
    }
    %scan3A_22 = arith.constant 78 : i32
    %dma_wait3A = arith.constant 0 : i32
    %dma_wait3A_23 = arith.constant 0 : i32
    %dma_wait3A_24 = tpu.memref_slice %arg7[%dma_wait3A, %dma_wait3A_23] : memref<128x16xf32, #tpu.memory_space<vmem>> -> memref<16x16xf32, #tpu.memory_space<vmem>>
    %dma_wait3A_25 = arith.constant 0 : i32
    %dma_wait3A_26 = tpu.memref_slice %arg6[%dma_wait3A_25] : memref<10000xi32, #tpu.memory_space<vmem>> -> memref<16xi32, #tpu.memory_space<vmem>>
    %dma_wait3A_27 = arith.constant 0 : i32
    %dma_wait3A_28 = arith.constant 0 : i32
    %dma_wait3A_29 = tpu.memref_slice %arg8[%dma_wait3A_27, %dma_wait3A_28] : memref<10240x16xf32, #tpu.memory_space<vmem_shared>> -> memref<10240x16xf32, #tpu.memory_space<vmem_shared>>
    tpu.wait_indirect_dma semaphore(%arg9 : memref<!tpu.dma_semaphore, #tpu.memory_space<semaphore_mem>>) src(%dma_wait3A_24 : memref<16x16xf32, #tpu.memory_space<vmem>>) dst(%dma_wait3A_29 : memref<10240x16xf32, #tpu.memory_space<vmem_shared>>)
    %barrier3A_30 = arith.constant 0 : index
    tpu.barrier barrier_id(%barrier3A_30)
    "tpu.region"() ({
      %run_scoped3A_31 = tpu.sem_alloc : memref<!tpu.dma_semaphore, #tpu.memory_space<semaphore_mem>>
      %dma_start3A_32 = arith.constant 0 : i32
      %dma_start3A_33 = tpu.memref_slice %arg5[%arg0, %mul3A_2, %dma_start3A_32] : memref<2x10240x16xf32, #tpu.memory_space<hbm>> -> memref<1x640x16xf32, #tpu.memory_space<hbm>>
      %dma_start3A_34 = tpu.memref_squeeze %dma_start3A_33 : memref<1x640x16xf32, #tpu.memory_space<hbm>> -> memref<640x16xf32, #tpu.memory_space<hbm>>
      %dma_start3A_35 = arith.constant 0 : i32
      %dma_start3A_36 = tpu.memref_slice %arg8[%mul3A_2, %dma_start3A_35] : memref<10240x16xf32, #tpu.memory_space<vmem_shared>> -> memref<640x16xf32, #tpu.memory_space<vmem_shared>>
      tpu.enqueue_dma source(%dma_start3A_36 : memref<640x16xf32, #tpu.memory_space<vmem_shared>>) target(%dma_start3A_34 : memref<640x16xf32, #tpu.memory_space<hbm>>) target_semaphore(%run_scoped3A_31 : memref<!tpu.dma_semaphore, #tpu.memory_space<semaphore_mem>>)
      %dma_wait3A_37 = arith.constant 0 : i32
      %dma_wait3A_38 = tpu.memref_slice %arg5[%arg0, %mul3A_2, %dma_wait3A_37] : memref<2x10240x16xf32, #tpu.memory_space<hbm>> -> memref<1x640x16xf32, #tpu.memory_space<hbm>>
      %dma_wait3A_39 = tpu.memref_squeeze %dma_wait3A_38 : memref<1x640x16xf32, #tpu.memory_space<hbm>> -> memref<640x16xf32, #tpu.memory_space<hbm>>
      %dma_wait3A_40 = arith.constant 0 : i32
      %dma_wait3A_41 = tpu.memref_slice %arg8[%mul3A_2, %dma_wait3A_40] : memref<10240x16xf32, #tpu.memory_space<vmem_shared>> -> memref<640x16xf32, #tpu.memory_space<vmem_shared>>
      tpu.wait_dma2 semaphore(%run_scoped3A_31 : memref<!tpu.dma_semaphore, #tpu.memory_space<semaphore_mem>>) src(%dma_wait3A_41 : memref<640x16xf32, #tpu.memory_space<vmem_shared>>) dst(%dma_wait3A_39 : memref<640x16xf32, #tpu.memory_space<hbm>>)
      tpu.yield
    }) : () -> ()
    return
  }
}

#map = affine_map<(d0, d1) -> (0, 0)>
#map1 = affine_map<(d0, d1) -> (0, 0, 0)>
module attributes {stable_mosaic.version = 14 : i64} {
  func.func @body(%arg0: i32, %arg1: i32, %arg2: memref<10240x16xf32, #tpu.memory_space<hbm>>, %arg3: memref<2x320000xi32, #tpu.memory_space<hbm>>, %arg4: memref<10240x16xf32, #tpu.memory_space<hbm>>, %arg5: memref<2x10240x16xf32, #tpu.memory_space<hbm>>, %arg6: memref<10000xi32, #tpu.memory_space<vmem>>, %arg7: memref<10000xi32, #tpu.memory_space<vmem>>, %arg8: memref<128x16xf32, #tpu.memory_space<vmem>>, %arg9: memref<128x16xf32, #tpu.memory_space<vmem>>, %arg10: memref<128x16xf32, #tpu.memory_space<vmem>>, %arg11: memref<128x16xf32, #tpu.memory_space<vmem>>, %arg12: memref<10240x16xf32, #tpu.memory_space<vmem_shared>>, %arg13: memref<!tpu.dma_semaphore, #tpu.memory_space<semaphore_mem>>, %arg14: memref<!tpu.dma_semaphore, #tpu.memory_space<semaphore_mem>>, %arg15: memref<!tpu.dma_semaphore, #tpu.memory_space<semaphore_mem>>, %arg16: memref<!tpu.dma_semaphore, #tpu.memory_space<semaphore_mem>>) attributes {dimension_semantics = [#tpu.dimension_semantics<core_parallel>, #tpu.dimension_semantics<subcore_parallel>], iteration_bounds = array<i64: 2, 16>, scalar_prefetch = 0 : i64, scratch_operands = 11 : i64, tpu.core_type = #tpu.core_type<sc_vector_subcore>, window_params = [{transform_indices = #map}, {transform_indices = #map}, {transform_indices = #map}, {transform_indices = #map1}]} {
    %mul3A = arith.constant 16 : i32
    %mul3A_0 = arith.muli %arg0, %mul3A : i32
    %add3A = arith.addi %mul3A_0, %arg1 : i32
    %mul3A_1 = arith.constant 640 : i32
    %mul3A_2 = arith.muli %arg1, %mul3A_1 : i32
    %mul3A_3 = arith.constant 10000 : i32
    %mul3A_4 = arith.muli %add3A, %mul3A_3 : i32
    "tpu.region"() ({
      %run_scoped3A_58 = tpu.sem_alloc : memref<!tpu.dma_semaphore, #tpu.memory_space<semaphore_mem>>
      %dma_start3A_59 = arith.constant 0 : i32
      %dma_start3A_60 = tpu.memref_slice %arg12[%mul3A_2, %dma_start3A_59] : memref<10240x16xf32, #tpu.memory_space<vmem_shared>> -> memref<640x16xf32, #tpu.memory_space<vmem_shared>>
      %dma_start3A_61 = arith.constant 0 : i32
      %dma_start3A_62 = tpu.memref_slice %arg4[%mul3A_2, %dma_start3A_61] : memref<10240x16xf32, #tpu.memory_space<hbm>> -> memref<640x16xf32, #tpu.memory_space<hbm>>
      tpu.enqueue_dma source(%dma_start3A_62 : memref<640x16xf32, #tpu.memory_space<hbm>>) target(%dma_start3A_60 : memref<640x16xf32, #tpu.memory_space<vmem_shared>>) target_semaphore(%run_scoped3A_58 : memref<!tpu.dma_semaphore, #tpu.memory_space<semaphore_mem>>)
      %dma_wait3A_63 = arith.constant 0 : i32
      %dma_wait3A_64 = tpu.memref_slice %arg12[%mul3A_2, %dma_wait3A_63] : memref<10240x16xf32, #tpu.memory_space<vmem_shared>> -> memref<640x16xf32, #tpu.memory_space<vmem_shared>>
      %dma_wait3A_65 = arith.constant 0 : i32
      %dma_wait3A_66 = tpu.memref_slice %arg4[%mul3A_2, %dma_wait3A_65] : memref<10240x16xf32, #tpu.memory_space<hbm>> -> memref<640x16xf32, #tpu.memory_space<hbm>>
      tpu.wait_dma2 semaphore(%run_scoped3A_58 : memref<!tpu.dma_semaphore, #tpu.memory_space<semaphore_mem>>) src(%dma_wait3A_66 : memref<640x16xf32, #tpu.memory_space<hbm>>) dst(%dma_wait3A_64 : memref<640x16xf32, #tpu.memory_space<vmem_shared>>)
      tpu.yield
    }) : () -> ()
    %run_scoped3A = arith.constant 0 : i32
    "tpu.region"() ({
      %run_scoped3A_58 = tpu.sem_alloc : memref<!tpu.dma_semaphore, #tpu.memory_space<semaphore_mem>>
      %dma_start3A_59 = tpu.memref_slice %arg3[%run_scoped3A, %mul3A_4] : memref<2x320000xi32, #tpu.memory_space<hbm>> -> memref<1x10000xi32, #tpu.memory_space<hbm>>
      %dma_start3A_60 = tpu.memref_squeeze %dma_start3A_59 : memref<1x10000xi32, #tpu.memory_space<hbm>> -> memref<10000xi32, #tpu.memory_space<hbm>>
      %dma_start3A_61 = tpu.memref_slice %arg3[%run_scoped3A, %mul3A_4] : memref<2x320000xi32, #tpu.memory_space<hbm>> -> memref<1x10000xi32, #tpu.memory_space<hbm>>
      %dma_start3A_62 = tpu.memref_squeeze %dma_start3A_61 : memref<1x10000xi32, #tpu.memory_space<hbm>> -> memref<10000xi32, #tpu.memory_space<hbm>>
      tpu.enqueue_dma source(%dma_start3A_62 : memref<10000xi32, #tpu.memory_space<hbm>>) target(%arg6 : memref<10000xi32, #tpu.memory_space<vmem>>) target_semaphore(%run_scoped3A_58 : memref<!tpu.dma_semaphore, #tpu.memory_space<semaphore_mem>>)
      %dma_wait3A_63 = tpu.memref_slice %arg3[%run_scoped3A, %mul3A_4] : memref<2x320000xi32, #tpu.memory_space<hbm>> -> memref<1x10000xi32, #tpu.memory_space<hbm>>
      %dma_wait3A_64 = tpu.memref_squeeze %dma_wait3A_63 : memref<1x10000xi32, #tpu.memory_space<hbm>> -> memref<10000xi32, #tpu.memory_space<hbm>>
      %dma_wait3A_65 = tpu.memref_slice %arg3[%run_scoped3A, %mul3A_4] : memref<2x320000xi32, #tpu.memory_space<hbm>> -> memref<1x10000xi32, #tpu.memory_space<hbm>>
      %dma_wait3A_66 = tpu.memref_squeeze %dma_wait3A_65 : memref<1x10000xi32, #tpu.memory_space<hbm>> -> memref<10000xi32, #tpu.memory_space<hbm>>
      tpu.wait_dma2 semaphore(%run_scoped3A_58 : memref<!tpu.dma_semaphore, #tpu.memory_space<semaphore_mem>>) src(%dma_wait3A_66 : memref<10000xi32, #tpu.memory_space<hbm>>) dst(%arg6 : memref<10000xi32, #tpu.memory_space<vmem>>)
      tpu.yield
    }) : () -> ()
    %run_scoped3A_5 = arith.constant 1 : i32
    "tpu.region"() ({
      %run_scoped3A_58 = tpu.sem_alloc : memref<!tpu.dma_semaphore, #tpu.memory_space<semaphore_mem>>
      %dma_start3A_59 = tpu.memref_slice %arg3[%run_scoped3A_5, %mul3A_4] : memref<2x320000xi32, #tpu.memory_space<hbm>> -> memref<1x10000xi32, #tpu.memory_space<hbm>>
      %dma_start3A_60 = tpu.memref_squeeze %dma_start3A_59 : memref<1x10000xi32, #tpu.memory_space<hbm>> -> memref<10000xi32, #tpu.memory_space<hbm>>
      %dma_start3A_61 = tpu.memref_slice %arg3[%run_scoped3A_5, %mul3A_4] : memref<2x320000xi32, #tpu.memory_space<hbm>> -> memref<1x10000xi32, #tpu.memory_space<hbm>>
      %dma_start3A_62 = tpu.memref_squeeze %dma_start3A_61 : memref<1x10000xi32, #tpu.memory_space<hbm>> -> memref<10000xi32, #tpu.memory_space<hbm>>
      tpu.enqueue_dma source(%dma_start3A_62 : memref<10000xi32, #tpu.memory_space<hbm>>) target(%arg7 : memref<10000xi32, #tpu.memory_space<vmem>>) target_semaphore(%run_scoped3A_58 : memref<!tpu.dma_semaphore, #tpu.memory_space<semaphore_mem>>)
      %dma_wait3A_63 = tpu.memref_slice %arg3[%run_scoped3A_5, %mul3A_4] : memref<2x320000xi32, #tpu.memory_space<hbm>> -> memref<1x10000xi32, #tpu.memory_space<hbm>>
      %dma_wait3A_64 = tpu.memref_squeeze %dma_wait3A_63 : memref<1x10000xi32, #tpu.memory_space<hbm>> -> memref<10000xi32, #tpu.memory_space<hbm>>
      %dma_wait3A_65 = tpu.memref_slice %arg3[%run_scoped3A_5, %mul3A_4] : memref<2x320000xi32, #tpu.memory_space<hbm>> -> memref<1x10000xi32, #tpu.memory_space<hbm>>
      %dma_wait3A_66 = tpu.memref_squeeze %dma_wait3A_65 : memref<1x10000xi32, #tpu.memory_space<hbm>> -> memref<10000xi32, #tpu.memory_space<hbm>>
      tpu.wait_dma2 semaphore(%run_scoped3A_58 : memref<!tpu.dma_semaphore, #tpu.memory_space<semaphore_mem>>) src(%dma_wait3A_66 : memref<10000xi32, #tpu.memory_space<hbm>>) dst(%arg7 : memref<10000xi32, #tpu.memory_space<vmem>>)
      tpu.yield
    }) : () -> ()
    %barrier3A = arith.constant 0 : index
    tpu.barrier barrier_id(%barrier3A)
    %dma_start3A = arith.constant 0 : i32
    %dma_start3A_6 = tpu.memref_slice %arg6[%dma_start3A] : memref<10000xi32, #tpu.memory_space<vmem>> -> memref<128xi32, #tpu.memory_space<vmem>>
    %dma_start3A_7 = arith.constant 0 : i32
    %dma_start3A_8 = arith.constant 0 : i32
    %dma_start3A_9 = tpu.memref_slice %arg2[%dma_start3A_7, %dma_start3A_8] : memref<10240x16xf32, #tpu.memory_space<hbm>> -> memref<10240x16xf32, #tpu.memory_space<hbm>>
    tpu.enqueue_indirect_dma source(%dma_start3A_9 : memref<10240x16xf32, #tpu.memory_space<hbm>>) target(%arg8 : memref<128x16xf32, #tpu.memory_space<vmem>>) offsets(%dma_start3A_6 : memref<128xi32, #tpu.memory_space<vmem>>) semaphore(%arg13 : memref<!tpu.dma_semaphore, #tpu.memory_space<semaphore_mem>>)
    %dma_start3A_10 = arith.constant 128 : i32
    %dma_start3A_11 = tpu.memref_slice %arg6[%dma_start3A_10] : memref<10000xi32, #tpu.memory_space<vmem>> -> memref<128xi32, #tpu.memory_space<vmem>>
    %dma_start3A_12 = arith.constant 0 : i32
    %dma_start3A_13 = arith.constant 0 : i32
    %dma_start3A_14 = tpu.memref_slice %arg2[%dma_start3A_12, %dma_start3A_13] : memref<10240x16xf32, #tpu.memory_space<hbm>> -> memref<10240x16xf32, #tpu.memory_space<hbm>>
    tpu.enqueue_indirect_dma source(%dma_start3A_14 : memref<10240x16xf32, #tpu.memory_space<hbm>>) target(%arg9 : memref<128x16xf32, #tpu.memory_space<vmem>>) offsets(%dma_start3A_11 : memref<128xi32, #tpu.memory_space<vmem>>) semaphore(%arg14 : memref<!tpu.dma_semaphore, #tpu.memory_space<semaphore_mem>>)
    %dma_start3A_15 = arith.constant 256 : i32
    %dma_start3A_16 = tpu.memref_slice %arg6[%dma_start3A_15] : memref<10000xi32, #tpu.memory_space<vmem>> -> memref<128xi32, #tpu.memory_space<vmem>>
    %dma_start3A_17 = arith.constant 0 : i32
    %dma_start3A_18 = arith.constant 0 : i32
    %dma_start3A_19 = tpu.memref_slice %arg2[%dma_start3A_17, %dma_start3A_18] : memref<10240x16xf32, #tpu.memory_space<hbm>> -> memref<10240x16xf32, #tpu.memory_space<hbm>>
    tpu.enqueue_indirect_dma source(%dma_start3A_19 : memref<10240x16xf32, #tpu.memory_space<hbm>>) target(%arg10 : memref<128x16xf32, #tpu.memory_space<vmem>>) offsets(%dma_start3A_16 : memref<128xi32, #tpu.memory_space<vmem>>) semaphore(%arg15 : memref<!tpu.dma_semaphore, #tpu.memory_space<semaphore_mem>>)
    %dma_start3A_20 = arith.constant 384 : i32
    %dma_start3A_21 = tpu.memref_slice %arg6[%dma_start3A_20] : memref<10000xi32, #tpu.memory_space<vmem>> -> memref<128xi32, #tpu.memory_space<vmem>>
    %dma_start3A_22 = arith.constant 0 : i32
    %dma_start3A_23 = arith.constant 0 : i32
    %dma_start3A_24 = tpu.memref_slice %arg2[%dma_start3A_22, %dma_start3A_23] : memref<10240x16xf32, #tpu.memory_space<hbm>> -> memref<10240x16xf32, #tpu.memory_space<hbm>>
    tpu.enqueue_indirect_dma source(%dma_start3A_24 : memref<10240x16xf32, #tpu.memory_space<hbm>>) target(%arg11 : memref<128x16xf32, #tpu.memory_space<vmem>>) offsets(%dma_start3A_21 : memref<128xi32, #tpu.memory_space<vmem>>) semaphore(%arg16 : memref<!tpu.dma_semaphore, #tpu.memory_space<semaphore_mem>>)
    %scan3A = arith.constant 0 : i32
    %scan3A_25 = arith.constant 0 : i32
    %scan3A_26 = arith.constant 19 : i32
    %scan3A_27 = arith.addi %scan3A_25, %scan3A_26 : i32
    %scan3A_28 = arith.constant 1 : i32
    scf.for %scan3A_58 = %scan3A_25 to %scan3A_27 step %scan3A_28  : i32 {
      %mul3A_59 = arith.constant 4 : i32
      %mul3A_60 = arith.muli %mul3A_59, %scan3A_58 : i32
      %dma_wait3A_61 = arith.constant 0 : i32
      %dma_wait3A_62 = arith.constant 0 : i32
      %dma_wait3A_63 = tpu.memref_slice %arg2[%dma_wait3A_61, %dma_wait3A_62] : memref<10240x16xf32, #tpu.memory_space<hbm>> -> memref<128x16xf32, #tpu.memory_space<hbm>>
      %dma_wait3A_64 = arith.constant 0 : i32
      %dma_wait3A_65 = arith.constant 0 : i32
      %dma_wait3A_66 = tpu.memref_slice %arg2[%dma_wait3A_64, %dma_wait3A_65] : memref<10240x16xf32, #tpu.memory_space<hbm>> -> memref<128x16xf32, #tpu.memory_space<hbm>>
      tpu.wait_dma2 semaphore(%arg13 : memref<!tpu.dma_semaphore, #tpu.memory_space<semaphore_mem>>) src(%dma_wait3A_66 : memref<128x16xf32, #tpu.memory_space<hbm>>) dst(%arg8 : memref<128x16xf32, #tpu.memory_space<vmem>>)
      %add3A_67 = arith.constant 0 : i32
      %add3A_68 = arith.addi %mul3A_60, %add3A_67 : i32
      %mul3A_69 = arith.constant 128 : i32
      %mul3A_70 = arith.muli %add3A_68, %mul3A_69 : i32
      "tpu.region"() ({
        %run_scoped3A_134 = tpu.sem_alloc : memref<!tpu.dma_semaphore, #tpu.memory_space<semaphore_mem>>
        %dma_start3A_135 = tpu.memref_slice %arg7[%mul3A_70] : memref<10000xi32, #tpu.memory_space<vmem>> -> memref<128xi32, #tpu.memory_space<vmem>>
        %dma_start3A_136 = arith.constant 0 : i32
        %dma_start3A_137 = arith.constant 0 : i32
        %dma_start3A_138 = tpu.memref_slice %arg12[%dma_start3A_136, %dma_start3A_137] : memref<10240x16xf32, #tpu.memory_space<vmem_shared>> -> memref<10240x16xf32, #tpu.memory_space<vmem_shared>>
        tpu.enqueue_indirect_dma source(%arg8 : memref<128x16xf32, #tpu.memory_space<vmem>>) target(%dma_start3A_138 : memref<10240x16xf32, #tpu.memory_space<vmem_shared>>) offsets(%dma_start3A_135 : memref<128xi32, #tpu.memory_space<vmem>>) semaphore(%run_scoped3A_134 : memref<!tpu.dma_semaphore, #tpu.memory_space<semaphore_mem>>) {add = true}
        %dma_wait3A_139 = tpu.memref_slice %arg7[%mul3A_70] : memref<10000xi32, #tpu.memory_space<vmem>> -> memref<128xi32, #tpu.memory_space<vmem>>
        %dma_wait3A_140 = arith.constant 0 : i32
        %dma_wait3A_141 = arith.constant 0 : i32
        %dma_wait3A_142 = tpu.memref_slice %arg12[%dma_wait3A_140, %dma_wait3A_141] : memref<10240x16xf32, #tpu.memory_space<vmem_shared>> -> memref<10240x16xf32, #tpu.memory_space<vmem_shared>>
        tpu.wait_indirect_dma semaphore(%run_scoped3A_134 : memref<!tpu.dma_semaphore, #tpu.memory_space<semaphore_mem>>) src(%arg8 : memref<128x16xf32, #tpu.memory_space<vmem>>) dst(%dma_wait3A_142 : memref<10240x16xf32, #tpu.memory_space<vmem_shared>>)
        tpu.yield
      }) : () -> ()
      %add3A_71 = arith.constant 0 : i32
      %add3A_72 = arith.addi %mul3A_60, %add3A_71 : i32
      %add3A_73 = arith.constant 4 : i32
      %add3A_74 = arith.addi %add3A_72, %add3A_73 : i32
      %lt3A = arith.constant 78 : i32
      %lt3A_75 = arith.cmpi slt, %add3A_74, %lt3A : i32
      %convert_element_type3A = arith.extui %lt3A_75 : i1 to i32
      %cond3A = arith.constant 0 : i32
      %cond3A_76 = arith.cmpi ne, %convert_element_type3A, %cond3A : i32
      scf.if %cond3A_76 {
        %add3A_134 = arith.constant 0 : i32
        %add3A_135 = arith.addi %mul3A_60, %add3A_134 : i32
        %add3A_136 = arith.constant 4 : i32
        %add3A_137 = arith.addi %add3A_135, %add3A_136 : i32
        %mul3A_138 = arith.constant 128 : i32
        %mul3A_139 = arith.muli %add3A_137, %mul3A_138 : i32
        %dma_start3A_140 = tpu.memref_slice %arg6[%mul3A_139] : memref<10000xi32, #tpu.memory_space<vmem>> -> memref<128xi32, #tpu.memory_space<vmem>>
        %dma_start3A_141 = arith.constant 0 : i32
        %dma_start3A_142 = arith.constant 0 : i32
        %dma_start3A_143 = tpu.memref_slice %arg2[%dma_start3A_141, %dma_start3A_142] : memref<10240x16xf32, #tpu.memory_space<hbm>> -> memref<10240x16xf32, #tpu.memory_space<hbm>>
        tpu.enqueue_indirect_dma source(%dma_start3A_143 : memref<10240x16xf32, #tpu.memory_space<hbm>>) target(%arg8 : memref<128x16xf32, #tpu.memory_space<vmem>>) offsets(%dma_start3A_140 : memref<128xi32, #tpu.memory_space<vmem>>) semaphore(%arg13 : memref<!tpu.dma_semaphore, #tpu.memory_space<semaphore_mem>>)
      } else {
      }
      %dma_wait3A_77 = arith.constant 0 : i32
      %dma_wait3A_78 = arith.constant 0 : i32
      %dma_wait3A_79 = tpu.memref_slice %arg2[%dma_wait3A_77, %dma_wait3A_78] : memref<10240x16xf32, #tpu.memory_space<hbm>> -> memref<128x16xf32, #tpu.memory_space<hbm>>
      %dma_wait3A_80 = arith.constant 0 : i32
      %dma_wait3A_81 = arith.constant 0 : i32
      %dma_wait3A_82 = tpu.memref_slice %arg2[%dma_wait3A_80, %dma_wait3A_81] : memref<10240x16xf32, #tpu.memory_space<hbm>> -> memref<128x16xf32, #tpu.memory_space<hbm>>
      tpu.wait_dma2 semaphore(%arg14 : memref<!tpu.dma_semaphore, #tpu.memory_space<semaphore_mem>>) src(%dma_wait3A_82 : memref<128x16xf32, #tpu.memory_space<hbm>>) dst(%arg9 : memref<128x16xf32, #tpu.memory_space<vmem>>)
      %add3A_83 = arith.constant 1 : i32
      %add3A_84 = arith.addi %mul3A_60, %add3A_83 : i32
      %mul3A_85 = arith.constant 128 : i32
      %mul3A_86 = arith.muli %add3A_84, %mul3A_85 : i32
      "tpu.region"() ({
        %run_scoped3A_134 = tpu.sem_alloc : memref<!tpu.dma_semaphore, #tpu.memory_space<semaphore_mem>>
        %dma_start3A_135 = tpu.memref_slice %arg7[%mul3A_86] : memref<10000xi32, #tpu.memory_space<vmem>> -> memref<128xi32, #tpu.memory_space<vmem>>
        %dma_start3A_136 = arith.constant 0 : i32
        %dma_start3A_137 = arith.constant 0 : i32
        %dma_start3A_138 = tpu.memref_slice %arg12[%dma_start3A_136, %dma_start3A_137] : memref<10240x16xf32, #tpu.memory_space<vmem_shared>> -> memref<10240x16xf32, #tpu.memory_space<vmem_shared>>
        tpu.enqueue_indirect_dma source(%arg9 : memref<128x16xf32, #tpu.memory_space<vmem>>) target(%dma_start3A_138 : memref<10240x16xf32, #tpu.memory_space<vmem_shared>>) offsets(%dma_start3A_135 : memref<128xi32, #tpu.memory_space<vmem>>) semaphore(%run_scoped3A_134 : memref<!tpu.dma_semaphore, #tpu.memory_space<semaphore_mem>>) {add = true}
        %dma_wait3A_139 = tpu.memref_slice %arg7[%mul3A_86] : memref<10000xi32, #tpu.memory_space<vmem>> -> memref<128xi32, #tpu.memory_space<vmem>>
        %dma_wait3A_140 = arith.constant 0 : i32
        %dma_wait3A_141 = arith.constant 0 : i32
        %dma_wait3A_142 = tpu.memref_slice %arg12[%dma_wait3A_140, %dma_wait3A_141] : memref<10240x16xf32, #tpu.memory_space<vmem_shared>> -> memref<10240x16xf32, #tpu.memory_space<vmem_shared>>
        tpu.wait_indirect_dma semaphore(%run_scoped3A_134 : memref<!tpu.dma_semaphore, #tpu.memory_space<semaphore_mem>>) src(%arg9 : memref<128x16xf32, #tpu.memory_space<vmem>>) dst(%dma_wait3A_142 : memref<10240x16xf32, #tpu.memory_space<vmem_shared>>)
        tpu.yield
      }) : () -> ()
      %add3A_87 = arith.constant 1 : i32
      %add3A_88 = arith.addi %mul3A_60, %add3A_87 : i32
      %add3A_89 = arith.constant 4 : i32
      %add3A_90 = arith.addi %add3A_88, %add3A_89 : i32
      %lt3A_91 = arith.constant 78 : i32
      %lt3A_92 = arith.cmpi slt, %add3A_90, %lt3A_91 : i32
      %convert_element_type3A_93 = arith.extui %lt3A_92 : i1 to i32
      %cond3A_94 = arith.constant 0 : i32
      %cond3A_95 = arith.cmpi ne, %convert_element_type3A_93, %cond3A_94 : i32
      scf.if %cond3A_95 {
        %add3A_134 = arith.constant 1 : i32
        %add3A_135 = arith.addi %mul3A_60, %add3A_134 : i32
        %add3A_136 = arith.constant 4 : i32
        %add3A_137 = arith.addi %add3A_135, %add3A_136 : i32
        %mul3A_138 = arith.constant 128 : i32
        %mul3A_139 = arith.muli %add3A_137, %mul3A_138 : i32
        %dma_start3A_140 = tpu.memref_slice %arg6[%mul3A_139] : memref<10000xi32, #tpu.memory_space<vmem>> -> memref<128xi32, #tpu.memory_space<vmem>>
        %dma_start3A_141 = arith.constant 0 : i32
        %dma_start3A_142 = arith.constant 0 : i32
        %dma_start3A_143 = tpu.memref_slice %arg2[%dma_start3A_141, %dma_start3A_142] : memref<10240x16xf32, #tpu.memory_space<hbm>> -> memref<10240x16xf32, #tpu.memory_space<hbm>>
        tpu.enqueue_indirect_dma source(%dma_start3A_143 : memref<10240x16xf32, #tpu.memory_space<hbm>>) target(%arg9 : memref<128x16xf32, #tpu.memory_space<vmem>>) offsets(%dma_start3A_140 : memref<128xi32, #tpu.memory_space<vmem>>) semaphore(%arg14 : memref<!tpu.dma_semaphore, #tpu.memory_space<semaphore_mem>>)
      } else {
      }
      %dma_wait3A_96 = arith.constant 0 : i32
      %dma_wait3A_97 = arith.constant 0 : i32
      %dma_wait3A_98 = tpu.memref_slice %arg2[%dma_wait3A_96, %dma_wait3A_97] : memref<10240x16xf32, #tpu.memory_space<hbm>> -> memref<128x16xf32, #tpu.memory_space<hbm>>
      %dma_wait3A_99 = arith.constant 0 : i32
      %dma_wait3A_100 = arith.constant 0 : i32
      %dma_wait3A_101 = tpu.memref_slice %arg2[%dma_wait3A_99, %dma_wait3A_100] : memref<10240x16xf32, #tpu.memory_space<hbm>> -> memref<128x16xf32, #tpu.memory_space<hbm>>
      tpu.wait_dma2 semaphore(%arg15 : memref<!tpu.dma_semaphore, #tpu.memory_space<semaphore_mem>>) src(%dma_wait3A_101 : memref<128x16xf32, #tpu.memory_space<hbm>>) dst(%arg10 : memref<128x16xf32, #tpu.memory_space<vmem>>)
      %add3A_102 = arith.constant 2 : i32
      %add3A_103 = arith.addi %mul3A_60, %add3A_102 : i32
      %mul3A_104 = arith.constant 128 : i32
      %mul3A_105 = arith.muli %add3A_103, %mul3A_104 : i32
      "tpu.region"() ({
        %run_scoped3A_134 = tpu.sem_alloc : memref<!tpu.dma_semaphore, #tpu.memory_space<semaphore_mem>>
        %dma_start3A_135 = tpu.memref_slice %arg7[%mul3A_105] : memref<10000xi32, #tpu.memory_space<vmem>> -> memref<128xi32, #tpu.memory_space<vmem>>
        %dma_start3A_136 = arith.constant 0 : i32
        %dma_start3A_137 = arith.constant 0 : i32
        %dma_start3A_138 = tpu.memref_slice %arg12[%dma_start3A_136, %dma_start3A_137] : memref<10240x16xf32, #tpu.memory_space<vmem_shared>> -> memref<10240x16xf32, #tpu.memory_space<vmem_shared>>
        tpu.enqueue_indirect_dma source(%arg10 : memref<128x16xf32, #tpu.memory_space<vmem>>) target(%dma_start3A_138 : memref<10240x16xf32, #tpu.memory_space<vmem_shared>>) offsets(%dma_start3A_135 : memref<128xi32, #tpu.memory_space<vmem>>) semaphore(%run_scoped3A_134 : memref<!tpu.dma_semaphore, #tpu.memory_space<semaphore_mem>>) {add = true}
        %dma_wait3A_139 = tpu.memref_slice %arg7[%mul3A_105] : memref<10000xi32, #tpu.memory_space<vmem>> -> memref<128xi32, #tpu.memory_space<vmem>>
        %dma_wait3A_140 = arith.constant 0 : i32
        %dma_wait3A_141 = arith.constant 0 : i32
        %dma_wait3A_142 = tpu.memref_slice %arg12[%dma_wait3A_140, %dma_wait3A_141] : memref<10240x16xf32, #tpu.memory_space<vmem_shared>> -> memref<10240x16xf32, #tpu.memory_space<vmem_shared>>
        tpu.wait_indirect_dma semaphore(%run_scoped3A_134 : memref<!tpu.dma_semaphore, #tpu.memory_space<semaphore_mem>>) src(%arg10 : memref<128x16xf32, #tpu.memory_space<vmem>>) dst(%dma_wait3A_142 : memref<10240x16xf32, #tpu.memory_space<vmem_shared>>)
        tpu.yield
      }) : () -> ()
      %add3A_106 = arith.constant 2 : i32
      %add3A_107 = arith.addi %mul3A_60, %add3A_106 : i32
      %add3A_108 = arith.constant 4 : i32
      %add3A_109 = arith.addi %add3A_107, %add3A_108 : i32
      %lt3A_110 = arith.constant 78 : i32
      %lt3A_111 = arith.cmpi slt, %add3A_109, %lt3A_110 : i32
      %convert_element_type3A_112 = arith.extui %lt3A_111 : i1 to i32
      %cond3A_113 = arith.constant 0 : i32
      %cond3A_114 = arith.cmpi ne, %convert_element_type3A_112, %cond3A_113 : i32
      scf.if %cond3A_114 {
        %add3A_134 = arith.constant 2 : i32
        %add3A_135 = arith.addi %mul3A_60, %add3A_134 : i32
        %add3A_136 = arith.constant 4 : i32
        %add3A_137 = arith.addi %add3A_135, %add3A_136 : i32
        %mul3A_138 = arith.constant 128 : i32
        %mul3A_139 = arith.muli %add3A_137, %mul3A_138 : i32
        %dma_start3A_140 = tpu.memref_slice %arg6[%mul3A_139] : memref<10000xi32, #tpu.memory_space<vmem>> -> memref<128xi32, #tpu.memory_space<vmem>>
        %dma_start3A_141 = arith.constant 0 : i32
        %dma_start3A_142 = arith.constant 0 : i32
        %dma_start3A_143 = tpu.memref_slice %arg2[%dma_start3A_141, %dma_start3A_142] : memref<10240x16xf32, #tpu.memory_space<hbm>> -> memref<10240x16xf32, #tpu.memory_space<hbm>>
        tpu.enqueue_indirect_dma source(%dma_start3A_143 : memref<10240x16xf32, #tpu.memory_space<hbm>>) target(%arg10 : memref<128x16xf32, #tpu.memory_space<vmem>>) offsets(%dma_start3A_140 : memref<128xi32, #tpu.memory_space<vmem>>) semaphore(%arg15 : memref<!tpu.dma_semaphore, #tpu.memory_space<semaphore_mem>>)
      } else {
      }
      %dma_wait3A_115 = arith.constant 0 : i32
      %dma_wait3A_116 = arith.constant 0 : i32
      %dma_wait3A_117 = tpu.memref_slice %arg2[%dma_wait3A_115, %dma_wait3A_116] : memref<10240x16xf32, #tpu.memory_space<hbm>> -> memref<128x16xf32, #tpu.memory_space<hbm>>
      %dma_wait3A_118 = arith.constant 0 : i32
      %dma_wait3A_119 = arith.constant 0 : i32
      %dma_wait3A_120 = tpu.memref_slice %arg2[%dma_wait3A_118, %dma_wait3A_119] : memref<10240x16xf32, #tpu.memory_space<hbm>> -> memref<128x16xf32, #tpu.memory_space<hbm>>
      tpu.wait_dma2 semaphore(%arg16 : memref<!tpu.dma_semaphore, #tpu.memory_space<semaphore_mem>>) src(%dma_wait3A_120 : memref<128x16xf32, #tpu.memory_space<hbm>>) dst(%arg11 : memref<128x16xf32, #tpu.memory_space<vmem>>)
      %add3A_121 = arith.constant 3 : i32
      %add3A_122 = arith.addi %mul3A_60, %add3A_121 : i32
      %mul3A_123 = arith.constant 128 : i32
      %mul3A_124 = arith.muli %add3A_122, %mul3A_123 : i32
      "tpu.region"() ({
        %run_scoped3A_134 = tpu.sem_alloc : memref<!tpu.dma_semaphore, #tpu.memory_space<semaphore_mem>>
        %dma_start3A_135 = tpu.memref_slice %arg7[%mul3A_124] : memref<10000xi32, #tpu.memory_space<vmem>> -> memref<128xi32, #tpu.memory_space<vmem>>
        %dma_start3A_136 = arith.constant 0 : i32
        %dma_start3A_137 = arith.constant 0 : i32
        %dma_start3A_138 = tpu.memref_slice %arg12[%dma_start3A_136, %dma_start3A_137] : memref<10240x16xf32, #tpu.memory_space<vmem_shared>> -> memref<10240x16xf32, #tpu.memory_space<vmem_shared>>
        tpu.enqueue_indirect_dma source(%arg11 : memref<128x16xf32, #tpu.memory_space<vmem>>) target(%dma_start3A_138 : memref<10240x16xf32, #tpu.memory_space<vmem_shared>>) offsets(%dma_start3A_135 : memref<128xi32, #tpu.memory_space<vmem>>) semaphore(%run_scoped3A_134 : memref<!tpu.dma_semaphore, #tpu.memory_space<semaphore_mem>>) {add = true}
        %dma_wait3A_139 = tpu.memref_slice %arg7[%mul3A_124] : memref<10000xi32, #tpu.memory_space<vmem>> -> memref<128xi32, #tpu.memory_space<vmem>>
        %dma_wait3A_140 = arith.constant 0 : i32
        %dma_wait3A_141 = arith.constant 0 : i32
        %dma_wait3A_142 = tpu.memref_slice %arg12[%dma_wait3A_140, %dma_wait3A_141] : memref<10240x16xf32, #tpu.memory_space<vmem_shared>> -> memref<10240x16xf32, #tpu.memory_space<vmem_shared>>
        tpu.wait_indirect_dma semaphore(%run_scoped3A_134 : memref<!tpu.dma_semaphore, #tpu.memory_space<semaphore_mem>>) src(%arg11 : memref<128x16xf32, #tpu.memory_space<vmem>>) dst(%dma_wait3A_142 : memref<10240x16xf32, #tpu.memory_space<vmem_shared>>)
        tpu.yield
      }) : () -> ()
      %add3A_125 = arith.constant 3 : i32
      %add3A_126 = arith.addi %mul3A_60, %add3A_125 : i32
      %add3A_127 = arith.constant 4 : i32
      %add3A_128 = arith.addi %add3A_126, %add3A_127 : i32
      %lt3A_129 = arith.constant 78 : i32
      %lt3A_130 = arith.cmpi slt, %add3A_128, %lt3A_129 : i32
      %convert_element_type3A_131 = arith.extui %lt3A_130 : i1 to i32
      %cond3A_132 = arith.constant 0 : i32
      %cond3A_133 = arith.cmpi ne, %convert_element_type3A_131, %cond3A_132 : i32
      scf.if %cond3A_133 {
        %add3A_134 = arith.constant 3 : i32
        %add3A_135 = arith.addi %mul3A_60, %add3A_134 : i32
        %add3A_136 = arith.constant 4 : i32
        %add3A_137 = arith.addi %add3A_135, %add3A_136 : i32
        %mul3A_138 = arith.constant 128 : i32
        %mul3A_139 = arith.muli %add3A_137, %mul3A_138 : i32
        %dma_start3A_140 = tpu.memref_slice %arg6[%mul3A_139] : memref<10000xi32, #tpu.memory_space<vmem>> -> memref<128xi32, #tpu.memory_space<vmem>>
        %dma_start3A_141 = arith.constant 0 : i32
        %dma_start3A_142 = arith.constant 0 : i32
        %dma_start3A_143 = tpu.memref_slice %arg2[%dma_start3A_141, %dma_start3A_142] : memref<10240x16xf32, #tpu.memory_space<hbm>> -> memref<10240x16xf32, #tpu.memory_space<hbm>>
        tpu.enqueue_indirect_dma source(%dma_start3A_143 : memref<10240x16xf32, #tpu.memory_space<hbm>>) target(%arg11 : memref<128x16xf32, #tpu.memory_space<vmem>>) offsets(%dma_start3A_140 : memref<128xi32, #tpu.memory_space<vmem>>) semaphore(%arg16 : memref<!tpu.dma_semaphore, #tpu.memory_space<semaphore_mem>>)
      } else {
      }
    }
    %scan3A_29 = arith.constant 19 : i32
    %dma_wait3A = arith.constant 0 : i32
    %dma_wait3A_30 = arith.constant 0 : i32
    %dma_wait3A_31 = tpu.memref_slice %arg2[%dma_wait3A, %dma_wait3A_30] : memref<10240x16xf32, #tpu.memory_space<hbm>> -> memref<128x16xf32, #tpu.memory_space<hbm>>
    %dma_wait3A_32 = arith.constant 0 : i32
    %dma_wait3A_33 = arith.constant 0 : i32
    %dma_wait3A_34 = tpu.memref_slice %arg2[%dma_wait3A_32, %dma_wait3A_33] : memref<10240x16xf32, #tpu.memory_space<hbm>> -> memref<128x16xf32, #tpu.memory_space<hbm>>
    tpu.wait_dma2 semaphore(%arg13 : memref<!tpu.dma_semaphore, #tpu.memory_space<semaphore_mem>>) src(%dma_wait3A_34 : memref<128x16xf32, #tpu.memory_space<hbm>>) dst(%arg8 : memref<128x16xf32, #tpu.memory_space<vmem>>)
    "tpu.region"() ({
      %run_scoped3A_58 = tpu.sem_alloc : memref<!tpu.dma_semaphore, #tpu.memory_space<semaphore_mem>>
      %dma_start3A_59 = arith.constant 9728 : i32
      %dma_start3A_60 = tpu.memref_slice %arg7[%dma_start3A_59] : memref<10000xi32, #tpu.memory_space<vmem>> -> memref<128xi32, #tpu.memory_space<vmem>>
      %dma_start3A_61 = arith.constant 0 : i32
      %dma_start3A_62 = arith.constant 0 : i32
      %dma_start3A_63 = tpu.memref_slice %arg12[%dma_start3A_61, %dma_start3A_62] : memref<10240x16xf32, #tpu.memory_space<vmem_shared>> -> memref<10240x16xf32, #tpu.memory_space<vmem_shared>>
      tpu.enqueue_indirect_dma source(%arg8 : memref<128x16xf32, #tpu.memory_space<vmem>>) target(%dma_start3A_63 : memref<10240x16xf32, #tpu.memory_space<vmem_shared>>) offsets(%dma_start3A_60 : memref<128xi32, #tpu.memory_space<vmem>>) semaphore(%run_scoped3A_58 : memref<!tpu.dma_semaphore, #tpu.memory_space<semaphore_mem>>) {add = true}
      %dma_wait3A_64 = arith.constant 9728 : i32
      %dma_wait3A_65 = tpu.memref_slice %arg7[%dma_wait3A_64] : memref<10000xi32, #tpu.memory_space<vmem>> -> memref<128xi32, #tpu.memory_space<vmem>>
      %dma_wait3A_66 = arith.constant 0 : i32
      %dma_wait3A_67 = arith.constant 0 : i32
      %dma_wait3A_68 = tpu.memref_slice %arg12[%dma_wait3A_66, %dma_wait3A_67] : memref<10240x16xf32, #tpu.memory_space<vmem_shared>> -> memref<10240x16xf32, #tpu.memory_space<vmem_shared>>
      tpu.wait_indirect_dma semaphore(%run_scoped3A_58 : memref<!tpu.dma_semaphore, #tpu.memory_space<semaphore_mem>>) src(%arg8 : memref<128x16xf32, #tpu.memory_space<vmem>>) dst(%dma_wait3A_68 : memref<10240x16xf32, #tpu.memory_space<vmem_shared>>)
      tpu.yield
    }) : () -> ()
    %dma_wait3A_35 = arith.constant 0 : i32
    %dma_wait3A_36 = arith.constant 0 : i32
    %dma_wait3A_37 = tpu.memref_slice %arg2[%dma_wait3A_35, %dma_wait3A_36] : memref<10240x16xf32, #tpu.memory_space<hbm>> -> memref<128x16xf32, #tpu.memory_space<hbm>>
    %dma_wait3A_38 = arith.constant 0 : i32
    %dma_wait3A_39 = arith.constant 0 : i32
    %dma_wait3A_40 = tpu.memref_slice %arg2[%dma_wait3A_38, %dma_wait3A_39] : memref<10240x16xf32, #tpu.memory_space<hbm>> -> memref<128x16xf32, #tpu.memory_space<hbm>>
    tpu.wait_dma2 semaphore(%arg14 : memref<!tpu.dma_semaphore, #tpu.memory_space<semaphore_mem>>) src(%dma_wait3A_40 : memref<128x16xf32, #tpu.memory_space<hbm>>) dst(%arg9 : memref<128x16xf32, #tpu.memory_space<vmem>>)
    "tpu.region"() ({
      %run_scoped3A_58 = tpu.sem_alloc : memref<!tpu.dma_semaphore, #tpu.memory_space<semaphore_mem>>
      %dma_start3A_59 = arith.constant 9856 : i32
      %dma_start3A_60 = tpu.memref_slice %arg7[%dma_start3A_59] : memref<10000xi32, #tpu.memory_space<vmem>> -> memref<128xi32, #tpu.memory_space<vmem>>
      %dma_start3A_61 = arith.constant 0 : i32
      %dma_start3A_62 = arith.constant 0 : i32
      %dma_start3A_63 = tpu.memref_slice %arg12[%dma_start3A_61, %dma_start3A_62] : memref<10240x16xf32, #tpu.memory_space<vmem_shared>> -> memref<10240x16xf32, #tpu.memory_space<vmem_shared>>
      tpu.enqueue_indirect_dma source(%arg9 : memref<128x16xf32, #tpu.memory_space<vmem>>) target(%dma_start3A_63 : memref<10240x16xf32, #tpu.memory_space<vmem_shared>>) offsets(%dma_start3A_60 : memref<128xi32, #tpu.memory_space<vmem>>) semaphore(%run_scoped3A_58 : memref<!tpu.dma_semaphore, #tpu.memory_space<semaphore_mem>>) {add = true}
      %dma_wait3A_64 = arith.constant 9856 : i32
      %dma_wait3A_65 = tpu.memref_slice %arg7[%dma_wait3A_64] : memref<10000xi32, #tpu.memory_space<vmem>> -> memref<128xi32, #tpu.memory_space<vmem>>
      %dma_wait3A_66 = arith.constant 0 : i32
      %dma_wait3A_67 = arith.constant 0 : i32
      %dma_wait3A_68 = tpu.memref_slice %arg12[%dma_wait3A_66, %dma_wait3A_67] : memref<10240x16xf32, #tpu.memory_space<vmem_shared>> -> memref<10240x16xf32, #tpu.memory_space<vmem_shared>>
      tpu.wait_indirect_dma semaphore(%run_scoped3A_58 : memref<!tpu.dma_semaphore, #tpu.memory_space<semaphore_mem>>) src(%arg9 : memref<128x16xf32, #tpu.memory_space<vmem>>) dst(%dma_wait3A_68 : memref<10240x16xf32, #tpu.memory_space<vmem_shared>>)
      tpu.yield
    }) : () -> ()
    %dma_start3A_41 = arith.constant 0 : i32
    %dma_start3A_42 = arith.constant 0 : i32
    %dma_start3A_43 = tpu.memref_slice %arg8[%dma_start3A_41, %dma_start3A_42] : memref<128x16xf32, #tpu.memory_space<vmem>> -> memref<16x16xf32, #tpu.memory_space<vmem>>
    %dma_start3A_44 = arith.constant 9984 : i32
    %dma_start3A_45 = tpu.memref_slice %arg6[%dma_start3A_44] : memref<10000xi32, #tpu.memory_space<vmem>> -> memref<16xi32, #tpu.memory_space<vmem>>
    %dma_start3A_46 = arith.constant 0 : i32
    %dma_start3A_47 = arith.constant 0 : i32
    %dma_start3A_48 = tpu.memref_slice %arg2[%dma_start3A_46, %dma_start3A_47] : memref<10240x16xf32, #tpu.memory_space<hbm>> -> memref<10240x16xf32, #tpu.memory_space<hbm>>
    tpu.enqueue_indirect_dma source(%dma_start3A_48 : memref<10240x16xf32, #tpu.memory_space<hbm>>) target(%dma_start3A_43 : memref<16x16xf32, #tpu.memory_space<vmem>>) offsets(%dma_start3A_45 : memref<16xi32, #tpu.memory_space<vmem>>) semaphore(%arg13 : memref<!tpu.dma_semaphore, #tpu.memory_space<semaphore_mem>>)
    %dma_wait3A_49 = arith.constant 0 : i32
    %dma_wait3A_50 = arith.constant 0 : i32
    %dma_wait3A_51 = tpu.memref_slice %arg8[%dma_wait3A_49, %dma_wait3A_50] : memref<128x16xf32, #tpu.memory_space<vmem>> -> memref<16x16xf32, #tpu.memory_space<vmem>>
    %dma_wait3A_52 = arith.constant 9984 : i32
    %dma_wait3A_53 = tpu.memref_slice %arg6[%dma_wait3A_52] : memref<10000xi32, #tpu.memory_space<vmem>> -> memref<16xi32, #tpu.memory_space<vmem>>
    %dma_wait3A_54 = arith.constant 0 : i32
    %dma_wait3A_55 = arith.constant 0 : i32
    %dma_wait3A_56 = tpu.memref_slice %arg2[%dma_wait3A_54, %dma_wait3A_55] : memref<10240x16xf32, #tpu.memory_space<hbm>> -> memref<10240x16xf32, #tpu.memory_space<hbm>>
    tpu.wait_indirect_dma semaphore(%arg13 : memref<!tpu.dma_semaphore, #tpu.memory_space<semaphore_mem>>) src(%dma_wait3A_56 : memref<10240x16xf32, #tpu.memory_space<hbm>>) dst(%dma_wait3A_51 : memref<16x16xf32, #tpu.memory_space<vmem>>)
    "tpu.region"() ({
      %run_scoped3A_58 = tpu.sem_alloc : memref<!tpu.dma_semaphore, #tpu.memory_space<semaphore_mem>>
      %dma_start3A_59 = arith.constant 0 : i32
      %dma_start3A_60 = arith.constant 0 : i32
      %dma_start3A_61 = tpu.memref_slice %arg8[%dma_start3A_59, %dma_start3A_60] : memref<128x16xf32, #tpu.memory_space<vmem>> -> memref<16x16xf32, #tpu.memory_space<vmem>>
      %dma_start3A_62 = arith.constant 9984 : i32
      %dma_start3A_63 = tpu.memref_slice %arg7[%dma_start3A_62] : memref<10000xi32, #tpu.memory_space<vmem>> -> memref<16xi32, #tpu.memory_space<vmem>>
      %dma_start3A_64 = arith.constant 0 : i32
      %dma_start3A_65 = arith.constant 0 : i32
      %dma_start3A_66 = tpu.memref_slice %arg12[%dma_start3A_64, %dma_start3A_65] : memref<10240x16xf32, #tpu.memory_space<vmem_shared>> -> memref<10240x16xf32, #tpu.memory_space<vmem_shared>>
      tpu.enqueue_indirect_dma source(%dma_start3A_61 : memref<16x16xf32, #tpu.memory_space<vmem>>) target(%dma_start3A_66 : memref<10240x16xf32, #tpu.memory_space<vmem_shared>>) offsets(%dma_start3A_63 : memref<16xi32, #tpu.memory_space<vmem>>) semaphore(%run_scoped3A_58 : memref<!tpu.dma_semaphore, #tpu.memory_space<semaphore_mem>>) {add = true}
      %dma_wait3A_67 = arith.constant 0 : i32
      %dma_wait3A_68 = arith.constant 0 : i32
      %dma_wait3A_69 = tpu.memref_slice %arg8[%dma_wait3A_67, %dma_wait3A_68] : memref<128x16xf32, #tpu.memory_space<vmem>> -> memref<16x16xf32, #tpu.memory_space<vmem>>
      %dma_wait3A_70 = arith.constant 9984 : i32
      %dma_wait3A_71 = tpu.memref_slice %arg7[%dma_wait3A_70] : memref<10000xi32, #tpu.memory_space<vmem>> -> memref<16xi32, #tpu.memory_space<vmem>>
      %dma_wait3A_72 = arith.constant 0 : i32
      %dma_wait3A_73 = arith.constant 0 : i32
      %dma_wait3A_74 = tpu.memref_slice %arg12[%dma_wait3A_72, %dma_wait3A_73] : memref<10240x16xf32, #tpu.memory_space<vmem_shared>> -> memref<10240x16xf32, #tpu.memory_space<vmem_shared>>
      tpu.wait_indirect_dma semaphore(%run_scoped3A_58 : memref<!tpu.dma_semaphore, #tpu.memory_space<semaphore_mem>>) src(%dma_wait3A_69 : memref<16x16xf32, #tpu.memory_space<vmem>>) dst(%dma_wait3A_74 : memref<10240x16xf32, #tpu.memory_space<vmem_shared>>)
      tpu.yield
    }) : () -> ()
    %barrier3A_57 = arith.constant 0 : index
    tpu.barrier barrier_id(%barrier3A_57)
    "tpu.region"() ({
      %run_scoped3A_58 = tpu.sem_alloc : memref<!tpu.dma_semaphore, #tpu.memory_space<semaphore_mem>>
      %dma_start3A_59 = arith.constant 0 : i32
      %dma_start3A_60 = tpu.memref_slice %arg5[%arg0, %mul3A_2, %dma_start3A_59] : memref<2x10240x16xf32, #tpu.memory_space<hbm>> -> memref<1x640x16xf32, #tpu.memory_space<hbm>>
      %dma_start3A_61 = tpu.memref_squeeze %dma_start3A_60 : memref<1x640x16xf32, #tpu.memory_space<hbm>> -> memref<640x16xf32, #tpu.memory_space<hbm>>
      %dma_start3A_62 = arith.constant 0 : i32
      %dma_start3A_63 = tpu.memref_slice %arg12[%mul3A_2, %dma_start3A_62] : memref<10240x16xf32, #tpu.memory_space<vmem_shared>> -> memref<640x16xf32, #tpu.memory_space<vmem_shared>>
      tpu.enqueue_dma source(%dma_start3A_63 : memref<640x16xf32, #tpu.memory_space<vmem_shared>>) target(%dma_start3A_61 : memref<640x16xf32, #tpu.memory_space<hbm>>) target_semaphore(%run_scoped3A_58 : memref<!tpu.dma_semaphore, #tpu.memory_space<semaphore_mem>>)
      %dma_wait3A_64 = arith.constant 0 : i32
      %dma_wait3A_65 = tpu.memref_slice %arg5[%arg0, %mul3A_2, %dma_wait3A_64] : memref<2x10240x16xf32, #tpu.memory_space<hbm>> -> memref<1x640x16xf32, #tpu.memory_space<hbm>>
      %dma_wait3A_66 = tpu.memref_squeeze %dma_wait3A_65 : memref<1x640x16xf32, #tpu.memory_space<hbm>> -> memref<640x16xf32, #tpu.memory_space<hbm>>
      %dma_wait3A_67 = arith.constant 0 : i32
      %dma_wait3A_68 = tpu.memref_slice %arg12[%mul3A_2, %dma_wait3A_67] : memref<10240x16xf32, #tpu.memory_space<vmem_shared>> -> memref<640x16xf32, #tpu.memory_space<vmem_shared>>
      tpu.wait_dma2 semaphore(%run_scoped3A_58 : memref<!tpu.dma_semaphore, #tpu.memory_space<semaphore_mem>>) src(%dma_wait3A_68 : memref<640x16xf32, #tpu.memory_space<vmem_shared>>) dst(%dma_wait3A_66 : memref<640x16xf32, #tpu.memory_space<hbm>>)
      tpu.yield
    }) : () -> ()
    return
  }
}

module attributes {stable_mosaic.version = 14 : i64} {
  func.func @_mm_body(%arg0: i32, %arg1: memref<1024x128xf32, #tpu.memory_space<vmem>>, %arg2: memref<128x16xf32, #tpu.memory_space<vmem>>, %arg3: memref<1024x16xf32, #tpu.memory_space<vmem>>) attributes {dimension_semantics = [#tpu.dimension_semantics<arbitrary>], iteration_bounds = array<i64: 10>, scalar_prefetch = 0 : i64, scratch_operands = 0 : i64, tpu.core_type = #tpu.core_type<tc>, window_params = [{transform_indices = @transform_0, window_bounds = array<i64: 1024, 128>}, {pipeline_mode = #tpu.pipeline_mode<synchronous>, transform_indices = @transform_1, window_bounds = array<i64: 128, 16>}, {transform_indices = @transform_2, window_bounds = array<i64: 1024, 16>}]} {
    %get3A = arith.constant 0 : index
    %get3A_0 = arith.constant 0 : index
    %get3A_1 = vector.load %arg1[%get3A, %get3A_0] : memref<1024x128xf32, #tpu.memory_space<vmem>>, vector<1024x128xf32>
    %get3A_2 = arith.constant 0 : index
    %get3A_3 = arith.constant 0 : index
    %get3A_4 = vector.load %arg2[%get3A_2, %get3A_3] : memref<128x16xf32, #tpu.memory_space<vmem>>, vector<128x16xf32>
    %dot_general3A = arith.constant dense<0.000000e+00> : vector<1024x16xf32>
    %dot_general3A_5 = tpu.matmul %get3A_1, %get3A_4, %dot_general3A {dimension_numbers = #tpu.dot_dimension_numbers<[1], [0], [0], [1], [0, 0, 1, 1], [], []>, transpose_lhs_hint = false} : vector<1024x128xf32>, vector<128x16xf32>, vector<1024x16xf32> -> vector<1024x16xf32>
    %swap3A = arith.constant 0 : index
    %swap3A_6 = arith.constant 0 : index
    %swap3A_7 = vector.load %arg3[%swap3A, %swap3A_6] : memref<1024x16xf32, #tpu.memory_space<vmem>>, vector<1024x16xf32>
    tpu.vector_store %arg3[%swap3A, %swap3A_6], %dot_general3A_5 {strides = array<i32>} : memref<1024x16xf32, #tpu.memory_space<vmem>>, vector<1024x16xf32>,
    return
  }
  func.func @transform_0(%arg0: i32) -> (i32, i32) {
    %c0_i32 = arith.constant 0 : i32
    %c0_i32_0 = arith.constant 0 : i32
    return %arg0, %c0_i32 : i32, i32
  }
  func.func @transform_1(%arg0: i32) -> (i32, i32) {
    %c0_i32 = arith.constant 0 : i32
    %c0_i32_0 = arith.constant 0 : i32
    %c0_i32_1 = arith.constant 0 : i32
    return %c0_i32, %c0_i32_0 : i32, i32
  }
  func.func @transform_2(%arg0: i32) -> (i32, i32) {
    %c0_i32 = arith.constant 0 : i32
    %c0_i32_0 = arith.constant 0 : i32
    return %arg0, %c0_i32 : i32, i32
  }
}

module attributes {stable_mosaic.version = 14 : i64} {
  func.func @_scale_body(%arg0: i32, %arg1: memref<1024x16xf32, #tpu.memory_space<vmem>>, %arg2: memref<1024x16xf32, #tpu.memory_space<vmem>>, %arg3: memref<1024x16xf32, #tpu.memory_space<vmem>>, %arg4: memref<1024x16xf32, #tpu.memory_space<vmem>>, %arg5: memref<1024x16xf32, #tpu.memory_space<vmem>>) attributes {dimension_semantics = [#tpu.dimension_semantics<arbitrary>], iteration_bounds = array<i64: 10>, scalar_prefetch = 0 : i64, scratch_operands = 0 : i64, tpu.core_type = #tpu.core_type<tc>, window_params = [{transform_indices = @transform_0, window_bounds = array<i64: 1024, 16>}, {transform_indices = @transform_1, window_bounds = array<i64: 1024, 16>}, {transform_indices = @transform_2, window_bounds = array<i64: 1024, 16>}, {transform_indices = @transform_3, window_bounds = array<i64: 1024, 16>}, {transform_indices = @transform_4, window_bounds = array<i64: 1024, 16>}]} {
    %get3A = arith.constant 0 : index
    %get3A_0 = arith.constant 0 : index
    %get3A_1 = vector.load %arg1[%get3A, %get3A_0] : memref<1024x16xf32, #tpu.memory_space<vmem>>, vector<1024x1xf32>
    %get3A_2 = arith.constant 0 : index
    %get3A_3 = arith.constant 0 : index
    %get3A_4 = vector.load %arg2[%get3A_2, %get3A_3] : memref<1024x16xf32, #tpu.memory_space<vmem>>, vector<1024x1xf32>
    %add3A = arith.addf %get3A_1, %get3A_4 : vector<1024x1xf32>
    %add3A_5 = arith.constant 1.000000e+00 : f32
    %add3A_6 = vector.broadcast %add3A_5 : f32 to vector<1024x1xf32>
    %add3A_7 = arith.addf %add3A, %add3A_6 : vector<1024x1xf32>
    %rsqrt3A = math.rsqrt %add3A_7 : vector<1024x1xf32>
    %get3A_8 = arith.constant 0 : index
    %get3A_9 = arith.constant 0 : index
    %get3A_10 = vector.load %arg3[%get3A_8, %get3A_9] : memref<1024x16xf32, #tpu.memory_space<vmem>>, vector<1024x16xf32>
    %mul3A = vector.broadcast %rsqrt3A : vector<1024x1xf32> to vector<1024x16xf32>
    %mul3A_11 = arith.mulf %get3A_10, %mul3A : vector<1024x16xf32>
    %swap3A = arith.constant 0 : index
    %swap3A_12 = arith.constant 0 : index
    %swap3A_13 = vector.load %arg4[%swap3A, %swap3A_12] : memref<1024x16xf32, #tpu.memory_space<vmem>>, vector<1024x16xf32>
    tpu.vector_store %arg4[%swap3A, %swap3A_12], %mul3A_11 {strides = array<i32>} : memref<1024x16xf32, #tpu.memory_space<vmem>>, vector<1024x16xf32>,
    %broadcast_in_dim3A = vector.shape_cast %rsqrt3A : vector<1024x1xf32> to vector<1024x1xf32>
    %broadcast_in_dim3A_14 = vector.broadcast %broadcast_in_dim3A : vector<1024x1xf32> to vector<1024x16xf32>
    %swap3A_15 = arith.constant 0 : index
    %swap3A_16 = arith.constant 0 : index
    %swap3A_17 = vector.load %arg5[%swap3A_15, %swap3A_16] : memref<1024x16xf32, #tpu.memory_space<vmem>>, vector<1024x16xf32>
    tpu.vector_store %arg5[%swap3A_15, %swap3A_16], %broadcast_in_dim3A_14 {strides = array<i32>} : memref<1024x16xf32, #tpu.memory_space<vmem>>, vector<1024x16xf32>,
    return
  }
  func.func @transform_0(%arg0: i32) -> (i32, i32) {
    %c0_i32 = arith.constant 0 : i32
    %c0_i32_0 = arith.constant 0 : i32
    return %arg0, %c0_i32 : i32, i32
  }
  func.func @transform_1(%arg0: i32) -> (i32, i32) {
    %c0_i32 = arith.constant 0 : i32
    %c0_i32_0 = arith.constant 0 : i32
    return %arg0, %c0_i32 : i32, i32
  }
  func.func @transform_2(%arg0: i32) -> (i32, i32) {
    %c0_i32 = arith.constant 0 : i32
    %c0_i32_0 = arith.constant 0 : i32
    return %arg0, %c0_i32 : i32, i32
  }
  func.func @transform_3(%arg0: i32) -> (i32, i32) {
    %c0_i32 = arith.constant 0 : i32
    %c0_i32_0 = arith.constant 0 : i32
    return %arg0, %c0_i32 : i32, i32
  }
  func.func @transform_4(%arg0: i32) -> (i32, i32) {
    %c0_i32 = arith.constant 0 : i32
    %c0_i32_0 = arith.constant 0 : i32
    return %arg0, %c0_i32 : i32, i32
  }
}

module attributes {stable_mosaic.version = 14 : i64} {
  func.func @_bn_body(%arg0: i32, %arg1: memref<1024x16xf32, #tpu.memory_space<vmem>>, %arg2: memref<1024x16xf32, #tpu.memory_space<vmem>>, %arg3: memref<1024x16xf32, #tpu.memory_space<vmem>>, %arg4: memref<1024x16xf32, #tpu.memory_space<vmem>>, %arg5: memref<1x16xf32, #tpu.memory_space<vmem>>, %arg6: memref<1x16xf32, #tpu.memory_space<vmem>>, %arg7: memref<1x16xf32, #tpu.memory_space<vmem>>, %arg8: memref<1x16xf32, #tpu.memory_space<vmem>>, %arg9: memref<1x16xf32, #tpu.memory_space<vmem>>, %arg10: memref<1024x16xf32, #tpu.memory_space<vmem>>, %arg11: memref<1024x16xf32, #tpu.memory_space<vmem>>) attributes {dimension_semantics = [#tpu.dimension_semantics<arbitrary>], iteration_bounds = array<i64: 10>, scalar_prefetch = 0 : i64, scratch_operands = 0 : i64, tpu.core_type = #tpu.core_type<tc>, window_params = [{transform_indices = @transform_0, window_bounds = array<i64: 1024, 16>}, {transform_indices = @transform_1, window_bounds = array<i64: 1024, 16>}, {transform_indices = @transform_2, window_bounds = array<i64: 1024, 16>}, {transform_indices = @transform_3, window_bounds = array<i64: 1024, 16>}, {pipeline_mode = #tpu.pipeline_mode<synchronous>, transform_indices = @transform_4, window_bounds = array<i64: 1, 16>}, {pipeline_mode = #tpu.pipeline_mode<synchronous>, transform_indices = @transform_5, window_bounds = array<i64: 1, 16>}, {pipeline_mode = #tpu.pipeline_mode<synchronous>, transform_indices = @transform_6, window_bounds = array<i64: 1, 16>}, {pipeline_mode = #tpu.pipeline_mode<synchronous>, transform_indices = @transform_7, window_bounds = array<i64: 1, 16>}, {pipeline_mode = #tpu.pipeline_mode<synchronous>, transform_indices = @transform_8, window_bounds = array<i64: 1, 16>}, {transform_indices = @transform_9, window_bounds = array<i64: 1024, 16>}, {transform_indices = @transform_10, window_bounds = array<i64: 1024, 16>}]} {
    %get3A = arith.constant 0 : index
    %get3A_0 = arith.constant 0 : index
    %get3A_1 = vector.load %arg4[%get3A, %get3A_0] : memref<1024x16xf32, #tpu.memory_space<vmem>>, vector<1024x16xf32>
    %get3A_2 = arith.constant 0 : index
    %get3A_3 = arith.constant 0 : index
    %get3A_4 = vector.load %arg8[%get3A_2, %get3A_3] : memref<1x16xf32, #tpu.memory_space<vmem>>, vector<1x16xf32>
    %get3A_5 = arith.constant 0 : index
    %get3A_6 = arith.constant 0 : index
    %get3A_7 = vector.load %arg7[%get3A_5, %get3A_6] : memref<1x16xf32, #tpu.memory_space<vmem>>, vector<1x16xf32>
    %add3A = arith.constant 9.99999974E-6 : f32
    %add3A_8 = vector.broadcast %add3A : f32 to vector<1x16xf32>
    %add3A_9 = arith.addf %get3A_7, %add3A_8 : vector<1x16xf32>
    %rsqrt3A = math.rsqrt %add3A_9 : vector<1x16xf32>
    %mul3A = arith.mulf %get3A_4, %rsqrt3A : vector<1x16xf32>
    %get3A_10 = arith.constant 0 : index
    %get3A_11 = arith.constant 0 : index
    %get3A_12 = vector.load %arg1[%get3A_10, %get3A_11] : memref<1024x16xf32, #tpu.memory_space<vmem>>, vector<1024x16xf32>
    %get3A_13 = arith.constant 0 : index
    %get3A_14 = arith.constant 0 : index
    %get3A_15 = vector.load %arg2[%get3A_13, %get3A_14] : memref<1024x16xf32, #tpu.memory_space<vmem>>, vector<1024x16xf32>
    %add3A_16 = arith.addf %get3A_12, %get3A_15 : vector<1024x16xf32>
    %get3A_17 = arith.constant 0 : index
    %get3A_18 = arith.constant 0 : index
    %get3A_19 = vector.load %arg3[%get3A_17, %get3A_18] : memref<1024x16xf32, #tpu.memory_space<vmem>>, vector<1024x16xf32>
    %add3A_20 = arith.addf %add3A_16, %get3A_19 : vector<1024x16xf32>
    %mul3A_21 = arith.mulf %add3A_20, %get3A_1 : vector<1024x16xf32>
    %get3A_22 = arith.constant 0 : index
    %get3A_23 = arith.constant 0 : index
    %get3A_24 = vector.load %arg5[%get3A_22, %get3A_23] : memref<1x16xf32, #tpu.memory_space<vmem>>, vector<1x16xf32>
    %add3A_25 = vector.broadcast %get3A_24 : vector<1x16xf32> to vector<1024x16xf32>
    %add3A_26 = arith.addf %mul3A_21, %add3A_25 : vector<1024x16xf32>
    %get3A_27 = arith.constant 0 : index
    %get3A_28 = arith.constant 0 : index
    %get3A_29 = vector.load %arg6[%get3A_27, %get3A_28] : memref<1x16xf32, #tpu.memory_space<vmem>>, vector<1x16xf32>
    %sub3A = vector.broadcast %get3A_29 : vector<1x16xf32> to vector<1024x16xf32>
    %sub3A_30 = arith.subf %add3A_26, %sub3A : vector<1024x16xf32>
    %mul3A_31 = vector.broadcast %mul3A : vector<1x16xf32> to vector<1024x16xf32>
    %mul3A_32 = arith.mulf %sub3A_30, %mul3A_31 : vector<1024x16xf32>
    %get3A_33 = arith.constant 0 : index
    %get3A_34 = arith.constant 0 : index
    %get3A_35 = vector.load %arg9[%get3A_33, %get3A_34] : memref<1x16xf32, #tpu.memory_space<vmem>>, vector<1x16xf32>
    %add3A_36 = vector.broadcast %get3A_35 : vector<1x16xf32> to vector<1024x16xf32>
    %add3A_37 = arith.addf %mul3A_32, %add3A_36 : vector<1024x16xf32>
    %swap3A = arith.constant 0 : index
    %swap3A_38 = arith.constant 0 : index
    %swap3A_39 = vector.load %arg10[%swap3A, %swap3A_38] : memref<1024x16xf32, #tpu.memory_space<vmem>>, vector<1024x16xf32>
    tpu.vector_store %arg10[%swap3A, %swap3A_38], %add3A_37 {strides = array<i32>} : memref<1024x16xf32, #tpu.memory_space<vmem>>, vector<1024x16xf32>,
    %mul3A_40 = arith.mulf %add3A_37, %get3A_1 : vector<1024x16xf32>
    %swap3A_41 = arith.constant 0 : index
    %swap3A_42 = arith.constant 0 : index
    %swap3A_43 = vector.load %arg11[%swap3A_41, %swap3A_42] : memref<1024x16xf32, #tpu.memory_space<vmem>>, vector<1024x16xf32>
    tpu.vector_store %arg11[%swap3A_41, %swap3A_42], %mul3A_40 {strides = array<i32>} : memref<1024x16xf32, #tpu.memory_space<vmem>>, vector<1024x16xf32>,
    return
  }
  func.func @transform_0(%arg0: i32) -> (i32, i32) {
    %c0_i32 = arith.constant 0 : i32
    %c0_i32_0 = arith.constant 0 : i32
    return %arg0, %c0_i32 : i32, i32
  }
  func.func @transform_1(%arg0: i32) -> (i32, i32) {
    %c0_i32 = arith.constant 0 : i32
    %c0_i32_0 = arith.constant 0 : i32
    return %arg0, %c0_i32 : i32, i32
  }
  func.func @transform_2(%arg0: i32) -> (i32, i32) {
    %c0_i32 = arith.constant 0 : i32
    %c0_i32_0 = arith.constant 0 : i32
    return %arg0, %c0_i32 : i32, i32
  }
  func.func @transform_3(%arg0: i32) -> (i32, i32) {
    %c0_i32 = arith.constant 0 : i32
    %c0_i32_0 = arith.constant 0 : i32
    return %arg0, %c0_i32 : i32, i32
  }
  func.func @transform_4(%arg0: i32) -> (i32, i32) {
    %c0_i32 = arith.constant 0 : i32
    %c0_i32_0 = arith.constant 0 : i32
    %c0_i32_1 = arith.constant 0 : i32
    return %c0_i32, %c0_i32_0 : i32, i32
  }
  func.func @transform_5(%arg0: i32) -> (i32, i32) {
    %c0_i32 = arith.constant 0 : i32
    %c0_i32_0 = arith.constant 0 : i32
    %c0_i32_1 = arith.constant 0 : i32
    return %c0_i32, %c0_i32_0 : i32, i32
  }
  func.func @transform_6(%arg0: i32) -> (i32, i32) {
    %c0_i32 = arith.constant 0 : i32
    %c0_i32_0 = arith.constant 0 : i32
    %c0_i32_1 = arith.constant 0 : i32
    return %c0_i32, %c0_i32_0 : i32, i32
  }
  func.func @transform_7(%arg0: i32) -> (i32, i32) {
    %c0_i32 = arith.constant 0 : i32
    %c0_i32_0 = arith.constant 0 : i32
    %c0_i32_1 = arith.constant 0 : i32
    return %c0_i32, %c0_i32_0 : i32, i32
  }
  func.func @transform_8(%arg0: i32) -> (i32, i32) {
    %c0_i32 = arith.constant 0 : i32
    %c0_i32_0 = arith.constant 0 : i32
    %c0_i32_1 = arith.constant 0 : i32
    return %c0_i32, %c0_i32_0 : i32, i32
  }
  func.func @transform_9(%arg0: i32) -> (i32, i32) {
    %c0_i32 = arith.constant 0 : i32
    %c0_i32_0 = arith.constant 0 : i32
    return %arg0, %c0_i32 : i32, i32
  }
  func.func @transform_10(%arg0: i32) -> (i32, i32) {
    %c0_i32 = arith.constant 0 : i32
    %c0_i32_0 = arith.constant 0 : i32
    return %arg0, %c0_i32 : i32, i32
  }
}

module attributes {stable_mosaic.version = 14 : i64} {
  func.func @_out_body(%arg0: i32, %arg1: memref<10000x16xf32, #tpu.memory_space<vmem>>, %arg2: memref<10000x16xf32, #tpu.memory_space<vmem>>, %arg3: memref<10000x16xf32, #tpu.memory_space<vmem>>, %arg4: memref<10000x16xf32, #tpu.memory_space<vmem>>, %arg5: memref<16x304xf32, #tpu.memory_space<vmem>>, %arg6: memref<304x1xf32, #tpu.memory_space<vmem>>, %arg7: memref<304x10000xf32, #tpu.memory_space<vmem>>) attributes {dimension_semantics = [#tpu.dimension_semantics<arbitrary>], iteration_bounds = array<i64: 1>, scalar_prefetch = 0 : i64, scratch_operands = 0 : i64, tpu.core_type = #tpu.core_type<tc>, window_params = [{transform_indices = @transform_0, window_bounds = array<i64: 10000, 16>}, {transform_indices = @transform_1, window_bounds = array<i64: 10000, 16>}, {transform_indices = @transform_2, window_bounds = array<i64: 10000, 16>}, {transform_indices = @transform_3, window_bounds = array<i64: 10000, 16>}, {pipeline_mode = #tpu.pipeline_mode<synchronous>, transform_indices = @transform_4, window_bounds = array<i64: 16, 304>}, {pipeline_mode = #tpu.pipeline_mode<synchronous>, transform_indices = @transform_5, window_bounds = array<i64: 304, 1>}, {pipeline_mode = #tpu.pipeline_mode<synchronous>, transform_indices = @transform_6, window_bounds = array<i64: 304, 10000>}]} {
    %get3A = arith.constant 0 : index
    %get3A_0 = arith.constant 0 : index
    %get3A_1 = vector.load %arg1[%get3A, %get3A_0] : memref<10000x16xf32, #tpu.memory_space<vmem>>, vector<10000x16xf32>
    %get3A_2 = arith.constant 0 : index
    %get3A_3 = arith.constant 0 : index
    %get3A_4 = vector.load %arg2[%get3A_2, %get3A_3] : memref<10000x16xf32, #tpu.memory_space<vmem>>, vector<10000x16xf32>
    %add3A = arith.addf %get3A_1, %get3A_4 : vector<10000x16xf32>
    %get3A_5 = arith.constant 0 : index
    %get3A_6 = arith.constant 0 : index
    %get3A_7 = vector.load %arg3[%get3A_5, %get3A_6] : memref<10000x16xf32, #tpu.memory_space<vmem>>, vector<10000x16xf32>
    %add3A_8 = arith.addf %add3A, %get3A_7 : vector<10000x16xf32>
    %get3A_9 = arith.constant 0 : index
    %get3A_10 = arith.constant 0 : index
    %get3A_11 = vector.load %arg4[%get3A_9, %get3A_10] : memref<10000x16xf32, #tpu.memory_space<vmem>>, vector<10000x16xf32>
    %mul3A = arith.mulf %add3A_8, %get3A_11 : vector<10000x16xf32>
    %get3A_12 = arith.constant 0 : index
    %get3A_13 = arith.constant 0 : index
    %get3A_14 = vector.load %arg5[%get3A_12, %get3A_13] : memref<16x304xf32, #tpu.memory_space<vmem>>, vector<16x304xf32>
    %dot_general3A = arith.constant dense<0.000000e+00> : vector<304x10000xf32>
    %dot_general3A_15 = tpu.matmul %get3A_14, %mul3A, %dot_general3A {dimension_numbers = #tpu.dot_dimension_numbers<[0], [1], [1], [0], [0, 1, 1, 0], [], []>, transpose_lhs_hint = false} : vector<16x304xf32>, vector<10000x16xf32>, vector<304x10000xf32> -> vector<304x10000xf32>
    %get3A_16 = arith.constant 0 : index
    %get3A_17 = arith.constant 0 : index
    %get3A_18 = vector.load %arg6[%get3A_16, %get3A_17] : memref<304x1xf32, #tpu.memory_space<vmem>>, vector<304x1xf32>
    %add3A_19 = vector.broadcast %get3A_18 : vector<304x1xf32> to vector<304x10000xf32>
    %add3A_20 = arith.addf %dot_general3A_15, %add3A_19 : vector<304x10000xf32>
    %reduce_max3A = arith.constant dense<0xFF800000> : vector<10000xf32>
    %reduce_max3A_21 = vector.multi_reduction <maximumf>, %add3A_20, %reduce_max3A [0] : vector<304x10000xf32> to vector<10000xf32>
    %broadcast_in_dim3A = vector.shape_cast %reduce_max3A_21 : vector<10000xf32> to vector<1x10000xf32>
    %sub3A = vector.broadcast %broadcast_in_dim3A : vector<1x10000xf32> to vector<304x10000xf32>
    %sub3A_22 = arith.subf %add3A_20, %sub3A : vector<304x10000xf32>
    %exp3A = math.exp %sub3A_22 : vector<304x10000xf32>
    %reduce_sum3A = arith.constant dense<0.000000e+00> : vector<10000xf32>
    %reduce_sum3A_23 = vector.multi_reduction <add>, %exp3A, %reduce_sum3A [0] : vector<304x10000xf32> to vector<10000xf32>
    %broadcast_in_dim3A_24 = vector.shape_cast %reduce_sum3A_23 : vector<10000xf32> to vector<1x10000xf32>
    %log3A = math.log %broadcast_in_dim3A_24 : vector<1x10000xf32>
    %sub3A_25 = vector.broadcast %log3A : vector<1x10000xf32> to vector<304x10000xf32>
    %sub3A_26 = arith.subf %sub3A_22, %sub3A_25 : vector<304x10000xf32>
    %swap3A = arith.constant 0 : index
    %swap3A_27 = arith.constant 0 : index
    %swap3A_28 = vector.load %arg7[%swap3A, %swap3A_27] : memref<304x10000xf32, #tpu.memory_space<vmem>>, vector<304x10000xf32>
    tpu.vector_store %arg7[%swap3A, %swap3A_27], %sub3A_26 {strides = array<i32>} : memref<304x10000xf32, #tpu.memory_space<vmem>>, vector<304x10000xf32>,
    return
  }
  func.func @transform_0(%arg0: i32) -> (i32, i32) {
    %c0_i32 = arith.constant 0 : i32
    %c0_i32_0 = arith.constant 0 : i32
    %c0_i32_1 = arith.constant 0 : i32
    return %c0_i32, %c0_i32_0 : i32, i32
  }
  func.func @transform_1(%arg0: i32) -> (i32, i32) {
    %c0_i32 = arith.constant 0 : i32
    %c0_i32_0 = arith.constant 0 : i32
    %c0_i32_1 = arith.constant 0 : i32
    return %c0_i32, %c0_i32_0 : i32, i32
  }
  func.func @transform_2(%arg0: i32) -> (i32, i32) {
    %c0_i32 = arith.constant 0 : i32
    %c0_i32_0 = arith.constant 0 : i32
    %c0_i32_1 = arith.constant 0 : i32
    return %c0_i32, %c0_i32_0 : i32, i32
  }
  func.func @transform_3(%arg0: i32) -> (i32, i32) {
    %c0_i32 = arith.constant 0 : i32
    %c0_i32_0 = arith.constant 0 : i32
    %c0_i32_1 = arith.constant 0 : i32
    return %c0_i32, %c0_i32_0 : i32, i32
  }
  func.func @transform_4(%arg0: i32) -> (i32, i32) {
    %c0_i32 = arith.constant 0 : i32
    %c0_i32_0 = arith.constant 0 : i32
    %c0_i32_1 = arith.constant 0 : i32
    return %c0_i32, %c0_i32_0 : i32, i32
  }
  func.func @transform_5(%arg0: i32) -> (i32, i32) {
    %c0_i32 = arith.constant 0 : i32
    %c0_i32_0 = arith.constant 0 : i32
    %c0_i32_1 = arith.constant 0 : i32
    return %c0_i32, %c0_i32_0 : i32, i32
  }
  func.func @transform_6(%arg0: i32) -> (i32, i32) {
    %c0_i32 = arith.constant 0 : i32
    %c0_i32_0 = arith.constant 0 : i32
    %c0_i32_1 = arith.constant 0 : i32
    return %c0_i32, %c0_i32_0 : i32, i32
  }
}

</mosaic_0001>

<sc_bundles>
// kernel: kernel.12.cloned.1.call-start
scs
__scs_entry_jumppad:
0x0: {  	(pc) =	sbr.rel $0x88, $3  }
0x1: {  	(tag) =	ssettag $0x0;
	lr =	simm.s32 $0x1  }
0x2: {  	[smem:$0x3F97] =	sst lr;
	_ =	strace $0xD0000000  }
0x3: {  	_ = 	snop  }
0x4: {  	_ = 	snop  }
0x5: {  	_ = 	snop  }
0x6: {  	_ = 	snop  }
0x7: {  	_ = 	snop  }
__scs_overlays_trampoline_lowered:
0x8: {  	[smem:$0x3FA6] =	sst s0  }
0x9: {  	[smem:$0x3FA7] =	sst s1  }
0xa: {  	[smem:$0x3FA8] =	sst s2  }
0xb: {  	[smem:$0x3FA9] =	sst s3  }
0xc: {  	[smem:$0x3FAA] =	sst s4  }
0xd: {  	[smem:$0x3FAB] =	sst s5  }
0xe: {  	[smem:$0x3FAC] =	sst s6  }
0xf: {  	[smem:$0x3FAD] =	sst s7  }
0x10: {  	[smem:$0x3FAE] =	sst s8  }
0x11: {  	[smem:$0x3FAF] =	sst s9;
	s0 =	simm.s32 @!p0 $0x0  }
0x12: {  	s1 =	sld [smem:$0x3F95];
	s0 =	simm.s32 @p0 $0x1  }
0x13: {  	[smem:$0x3FB0] =	sst s0;
	s0 =	simm.s32 @!p1 $0x0  }
0x14: {  	s2 =	sld [smem:$0x3F94];
	s0 =	simm.s32 @p1 $0x1  }
0x15: {  	[smem:$0x3FB1] =	sst s0;
	s0 =	simm.s32 @!p2 $0x0  }
0x16: {  	s3 =	sld [smem:$0x3FDB];
	s0 =	simm.s32 @p2 $0x1  }
0x17: {  	s4 =	simm.s32 $0x1BF5;
	[smem:$0x3FB3] =	sst s0  }
0x18: {  	s0 =	sld [smem:$0x3F96];
	_ =	swait.ge [sflag:s4], $0x0  }
0x19: {  	s7 =	sld [smem:$0x3F97]  }
0x1a: {  	s8 =	sadd.s32 $0xFFFFE003, lr  }
0x1b: {  	s9 =	sadd.s32 $0xFFFFFEF7, lr;
	s5 =	simm.s32 $0xFFFFFFFF;
	p2 =	slt.u32 s8, $0xFFFFF086  }
0x1c: {  	p1 =	slt.u32 s9, $0xF7A;
	s5 =	simm.s32 @!p2 $0x0  }
0x1d: {  	s5 =	simm.s32 @p1 $0x1;
	p0 =	seq.s32 s7, s2  }
0x1e: {  	s7 =	smul.u32 @!p0 $0xF7A, s2;
	p2 =	seq.s32 @!p0 s5, $0x0  }
0x1f: {  	s9 =	smul.u32 $0xF7A, s1;
	s8 =	simm.s32 @!p0 $0x1BF5;
	p2 =	por !p2, p0  }
0x20: {  	[sflag:s8] =	ssyncset.s32 @!p0 $0xFFFFF086;
	s6 =	sadd.s32 @!p0 s3, s7;
	s7 =	simm.s32 @!p0 $0x108  }
0x21: {  	s3 =	sadd.s32 s3, s9;
	s6 =	sadd.s32 @!p0 $0x88, s6;
	s7 =	simm.s32 @p2 $0x1082  }
0x22: {  	[simem:s7], [sflag:s8] =	dma.local @!p0 [hbm:s6], $0xF7A  }
0x23: {  	s9 =	sor.u32 $0xD0000000, s2;
	s6 =	simm.s32 $0x108;
	_ =	swait.ge @!p0 [sflag:s8], $0x0  }
0x24: {  	s3 =	sadd.s32 $0x88, s3;
	s6 =	simm.s32 @!p1 $0x1082;
	[sflag:s4] =	ssyncset.s32 $0xFFFFF086  }
0x25: {  	[simem:s6], [sflag:s4] =	dma.local [hbm:s3], $0xF7A  }
0x26: {  	[smem:$0x3F97] =	sst s1;
	(tag) =	ssettag s2;
	_ =	strace s9  }
0x27: {  	s1 =	sld [smem:$0x3FA7]  }
0x28: {  	s2 =	sld [smem:$0x3FA8]  }
0x29: {  	s4 =	sld [smem:$0x3FAA]  }
0x2a: {  	p0 =	seq.s32 s5, $0x0;
	s5 =	sld [smem:$0x3FAB]  }
0x2b: {  	s6 =	sld [smem:$0x3FAC]  }
0x2c: {  	s7 =	sld [smem:$0x3FAD]  }
0x2d: {  	s3 =	simm.s32 $0x108;
	s8 =	sld [smem:$0x3FAE]  }
0x2e: {  	s3 =	simm.s32 @!p0 $0x1082;
	s9 =	sld [smem:$0x3FAF]  }
0x2f: {  	lr =	sadd.s32 s0, s3;
	s0 =	sld [smem:$0x3FA6]  }
0x30: {  	s3 =	sld [smem:$0x3FA9]  }
0x31: {  	[smem:$0x3FB2] =	sst s10  }
0x32: {  	s10 =	sld [smem:$0x3FB0];
	_ =	sdelay $0x3  }
0x33: {  	p0 =	seq.s32 s10, $0x1;
	s10 =	sld [smem:$0x3FB2];
	_ =	sdelay $0x3  }
0x34: {  	[smem:$0x3FB2] =	sst s10  }
0x35: {  	s10 =	sld [smem:$0x3FB1];
	_ =	sdelay $0x3  }
0x36: {  	p1 =	seq.s32 s10, $0x1;
	s10 =	sld [smem:$0x3FB2];
	_ =	sdelay $0x3  }
0x37: {  	[smem:$0x3FB2] =	sst s10  }
0x38: {  	s10 =	sld [smem:$0x3FB3]  }
0x39: {  	_ = 	snop;
	(pc) =	sbr.ind lr, $3  }
0x3a: {  	_ = 	snop  }
0x3b: {  	_ = 	snop  }
0x3c: {  	p2 =	seq.s32 s10, $0x1;
	s10 =	sld [smem:$0x3FB2]  }
0x3d: {  	_ =	shalt  }
0x3e: {  	_ =	shalt  }
0x3f: {  	_ =	shalt  }
0x40: {  	_ =	shalt  }
0x41: {  	_ =	shalt  }
0x42: {  	_ =	shalt  }
0x43: {  	_ =	shalt  }
0x44: {  	_ =	shalt  }
0x45: {  	_ =	shalt  }
0x46: {  	_ =	shalt  }
0x47: {  	_ =	shalt  }
0x48: {  	_ =	shalt  }
0x49: {  	_ =	shalt  }
0x4a: {  	_ =	shalt  }
0x4b: {  	_ =	shalt  }
0x4c: {  	_ =	shalt  }
0x4d: {  	_ =	shalt  }
0x4e: {  	_ =	shalt  }
0x4f: {  	_ =	shalt  }
0x50: {  	_ =	shalt  }
0x51: {  	_ =	shalt  }
0x52: {  	_ =	shalt  }
0x53: {  	_ =	shalt  }
0x54: {  	_ =	shalt  }
0x55: {  	_ =	shalt  }
0x56: {  	_ =	shalt  }
0x57: {  	_ =	shalt  }
0x58: {  	_ =	shalt  }
0x59: {  	_ =	shalt  }
0x5a: {  	_ =	shalt  }
0x5b: {  	_ =	shalt  }
0x5c: {  	_ =	shalt  }
0x5d: {  	_ =	shalt  }
0x5e: {  	_ =	shalt  }
0x5f: {  	_ =	shalt  }
0x60: {  	_ =	shalt  }
0x61: {  	_ =	shalt  }
0x62: {  	_ =	shalt  }
0x63: {  	_ =	shalt  }
0x64: {  	_ =	shalt  }
0x65: {  	_ =	shalt  }
0x66: {  	_ =	shalt  }
0x67: {  	_ =	shalt  }
0x68: {  	_ =	shalt  }
0x69: {  	_ =	shalt  }
0x6a: {  	_ =	shalt  }
0x6b: {  	_ =	shalt  }
0x6c: {  	_ =	shalt  }
0x6d: {  	_ =	shalt  }
0x6e: {  	_ =	shalt  }
0x6f: {  	_ =	shalt  }
0x70: {  	_ =	shalt  }
0x71: {  	_ =	shalt  }
0x72: {  	_ =	shalt  }
0x73: {  	_ =	shalt  }
0x74: {  	_ =	shalt  }
0x75: {  	_ =	shalt  }
0x76: {  	_ =	shalt  }
0x77: {  	_ =	shalt  }
0x78: {  	_ =	shalt  }
0x79: {  	_ =	shalt  }
0x7a: {  	_ =	shalt  }
0x7b: {  	_ =	shalt  }
0x7c: {  	_ =	shalt  }
0x7d: {  	_ =	shalt  }
0x7e: {  	_ =	shalt  }
0x7f: {  	_ =	shalt  }
0x80: {  	_ =	shalt  }
0x81: {  	_ =	shalt  }
0x82: {  	_ =	shalt  }
0x83: {  	_ =	shalt  }
0x84: {  	_ =	shalt  }
0x85: {  	_ =	shalt  }
0x86: {  	_ =	shalt  }
0x87: {  	_ =	shalt  }
.Lfunc_end0:
.L_simem_size_0:
called_computation.1_lowered:
.L_overlay_start_0:
0x88: {  	s2 =	sld [smem:$0x3FD9]  }
0x89: {  	s3 =	sld [smem:$0x3FFE];
	_ =	sdelay $0x1  }
0x8a: {  	s1 =	srdreg.scid  }
0x8b: {  	s0 =	sand.u32 $0x1, s1  }
0x8c: {  	s16 =	sshll.u32 s0, $0xA;
	s2 =	sadd.s32 s3, s2  }
0x8d: {  	s2 =	sadd.s32 s2, s16  }
0x8e: {  	[smem:$0x3FBE] =	sst s2  }
0x8f: {  	_ = 	snop  }
0x90: {  	(tm) =	ssettm $0x1  }
0x91: {  	s17 =	sld [smem:$0x3FFB];
	_ =	sdelay $0x3  }
0x92: {  	_ =	strace s17  }
0x93: {  	s2 =	sld [smem:$0x3FFC];
	_ =	sdelay $0x3  }
0x94: {  	_ =	strace s2  }
0x95: {  	s2 =	sld [smem:$0x3FFD];
	_ =	sdelay $0x3  }
0x96: {  	_ =	strace s2  }
0x97: {  	_ =	strace $0x8FFFFFFF  }
0x98: {  	s18 =	sld [smem:$0x3FDB];
	_ =	sdelay $0x1  }
0x99: {  	s19 =	simm.s32 $_scs_section_size  }
0x9a: {  	s4 =	simm.s32 $_size__tile_overlayer_lowered;
	s5 =	simm.s32 $_tile_overlayer_lowered  }
0x9b: {  	s22 =	simm.s32 $0x1BFF;
	s21 =	sshll.u32 s5, $0x1;
	s2 =	sadd.s32 s19, s18  }
0x9c: {  	s6 =	simm.s32 $0x0;
	s20 =	sshll.u32 s4, $0x1;
	s4 =	sadd.s32 s21, s2  }
0x9d: {  	[timem:s6], [sflag:s22] =	dma.local [hbm:s4], s20  }
0x9e: {  	_ =	swait.ge [sflag:s22], s20  }
0x9f: {  	s3 =	ssub.s32 $0x0, s20;
	[sflag:s22] =	ssyncset.done $0x0  }
0xa0: {  	[sflag:s22] =	ssyncadd.s32 s3;
	_ =	sdelay $0x1  }
0xa1: {  	s23 =	simm.s32 $0x1B8B  }
0xa2: {  	_ =	swait.ge [sflag:s23], $0x1  }
0xa3: {  	[sflag:s23] =	ssyncset.done $0x0  }
0xa4: {  	s25 =	simm.s32 $0x1B8E;
	s24 =	sld [smem:$0x3FFE];
	[sflag:s23] =	ssyncadd.s32 $0xFFFFFFFF  }
0xa5: {  	s26 =	simm.s32 $execute0_lowered;
	[smem:$0x3FD2] =	sst s25  }
0xa6: {  	s4 =	sshll.u32 s26, $0x1;
	_ =	strace $0x80000049;
	[dreg:$0x1] =	wrdreg $0xFFFFFFFF  }
0xa7: {  	s28 =	simm.s32 $_size_execute0_lowered;
	s2 =	sadd.s32 s2, s4;
	[dreg:$0x0] =	wrdreg $0x0  }
0xa8: {  	s4 =	sshll.u32 s28, $0x1;
	[dreg:$0x2] =	wrdreg s2  }
0xa9: {  	[dreg:$0x3] =	wrdreg s4  }
0xaa: {  	[dreg:$0x4] =	wrdreg $0xC0  }
0xab: {  	_ =	task [dreg:s6], $0x5FFFF  }
0xac: {  	[dreg:$0x1] =	wrdreg $0xFFFFFFFF  }
0xad: {  	[dreg:$0x0] =	wrdreg $0x60  }
0xae: {  	[dreg:$0x2] =	wrdreg s24  }
0xaf: {  	[dreg:$0x3] =	wrdreg $0x6E200  }
0xb0: {  	[dreg:$0x4] =	wrdreg $0x9  }
0xb1: {  	_ =	task.clear_ibuf [dreg:s6], $0x5FFFF;
	_ =	strace $0x90000049  }
0xb2: {  	s29 =	simm.s32 $0x9;
	_ =	strace $0x8000004B  }
0xb3: {  	_ =	swait.ge [sflag:s29], $0x1  }
0xb4: {  	[sflag:s29] =	ssyncadd.s32 $0xFFFFFFFF  }
0xb5: {  	_ =	strace $0x9000004B  }
0xb6: {  	_ =	sfence  }
0xb7: {  	s30 =	sld [smem:$0x0];
	_ =	sdelay $0x2  }
0xb8: {  	s31 =	sshll.u32 s1, $0xD;
	s1 =	sshrl.u32 s1, $0x2  }
0xb9: {  	s3 =	sand.u32 $0x4000, s31;
	s1 =	sadd.s32 s1, s30  }
0xba: {  	s0 =	sor.u32 s3, s0;
	s1 =	sshll.u32 s1, $0x11  }
0xbb: {  	s0 =	sor.u32 s1, s0  }
0xbc: {  	s0 =	sadd.s32 $0x8F2B, s0  }
0xbd: {  	[sflag:s0] =	ssyncadd.remote.s32 $0x1  }
0xbe: {  	_ =	sfence.sel $0xFFFF  }
0xbf: {  	[dreg:$0x0] =	wrdreg $0xFFFFFFFF;
	(pc) =	sbr.abs _section_cstart, $3  }
0xc0: {  	[dreg:$0x1] =	wrdreg $0xFFFFFFFF  }
0xc1: {  	_ =	task.clear_ibuf [dreg:s6], $0x2FFFF;
	_ =	strace $0x9FFFFFFF  }
0xc2: {  	(tm) =	ssettm $0x7FFFFFFF  }
0xc3: {  	_ =	shalt  }
tec
execute0_lowered:
.L_overlay_start_1:
0x0: {  	(tag) =	ssettag $0x1  }
0x1: {  	s0 =	srdreg.scid  }
0x2: {  	s11 =	stileid.u32;
	s5 =	rddreg [dreg:$0x0]  }
0x3: {  	s2 =	rddreg [dreg:$0x1];
	s3 =	simm.s32 $0x0;
	s12 =	simm.s32 $0x5  }
0x4: {  	s14 =	simm.s32 $0x80;
	s15 =	simm.s32 $0x4E20;
	s16 =	simm.s32 $0x5620  }
0x5: {  	s18 =	simm.s32 $0x5E20;
	s20 =	simm.s32 $0x6620;
	s21 =	simm.s32 $0x1  }
0x6: {  	s22 =	simm.s32 $0x2;
	s23 =	simm.s32 $0x3;
	s24 =	simm.s32 $0x4  }
0x7: {  	s30 =	simm.s32 $0x4C10;
	s31 =	simm.s32 $0x4C90;
	s13 =	simm.s32 $0x10  }
0x8: {  	s17 =	simm.s32 $0x2700;
	s19 =	simm.s32 $0x4E10;
	s25 =	simm.s32 $0x0  }
0x9: {  	s0 =	sand.u32 $0x1, s0;
	s6 =	smul.u32 $0x2800, s11;
	[smem:$0x7FF] =	sst s3  }
0xa: {  	s4 =	sadd.s32 $0x43C00, s5;
	s28 =	sshll.u32 s11, $0x6;
	s1 =	sshll.u32 s0, $0x4  }
0xb: {  	s7 =	smul.u32 $0x28000, s0;
	_ =	strace $0x8000004A;
	s0 =	ssub.s32 $0x2, s0  }
0xc: {  	s1 =	sor.u32 s11, s1;
	s8 =	sshrl.u32 s6, $0x3;
	s9 =	sshrl.u32 s0, $0x1  }
0xd: {  	s29 =	sadd.s32 s6, s2;
	s1 =	smul.u32 $0x2710, s1;
	s7 =	sadd.s32 s6, s7  }
0xe: {  	s8 =	sadd.s32 s8, s5;
	s0 =	ssub.s32 s0, s9;
	s6 =	sor.u32 $0x1C05, s28  }
0xf: {  	s11 =	sshrl.u32 s29, $0x3;
	s7 =	sshrl.u32 s7, $0x3;
	s1 =	sshrl.u32 s1, $0x3  }
0x10: {  	s10 =	sadd.s32 s7, s5;
	s1 =	sadd.s32 s1, s5;
	s5 =	sadd.s32 $0x16C00, s8  }
0x11: {  	s9 =	sadd.s32 $0x48C00, s10;
	s10 =	smax.u32 s0, $0x1;
	s0 =	simm.s32 $0x4D90  }
0x12: {  	s7 =	sadd.s32 $0x3200, s1;
	s8 =	sadd.s32 $0xCE40, s1;
	s1 =	simm.s32 $0x4D10  }
.LBB2_1:
0x13: {  	[spmem:s11], [sflag:s6] =	dma.local [hbm:s5], $0x500  }
0x14: {  	_ =	swait.ge [sflag:s12], $0x500  }
0x15: {  	[sflag:s12] =	ssyncset.done $0x0  }
0x16: {  	[sflag:s12] =	ssyncadd.s32 $0xFFFFFB00  }
0x17: {  	[tilespmem:s3], [sflag:$0x5] =	stream.linear.gather [hbm4b:s7+s3], $0x2710, $0x38;
	[tilespmem:$0x9620] =	vst v63  }
0x18: {  	_ =	swait.ge [sflag:s12], $0x2710  }
0x19: {  	[sflag:s12] =	ssyncset.done $0x0  }
0x1a: {  	s26 =	simm.s32 $0x2710;
	[sflag:s12] =	ssyncadd.s32 $0xFFFFD8F0  }
0x1b: {  	[tilespmem:s26], [sflag:$0x5] =	stream.linear.gather [hbm4b:s8+s3], $0x2710, $0x38;
	[tilespmem:$0x9620] =	vst v63  }
0x1c: {  	_ =	swait.ge [sflag:s12], $0x2710  }
0x1d: {  	[sflag:s12] =	ssyncset.done $0x0  }
0x1e: {  	[sflag:s12] =	ssyncadd.s32 $0xFFFFD8F0  }
0x1f: {  	[bflag:$0x0] =	sbarrier.arrive $0xFFFF  }
0x20: {  	[tilespmem:s15], [sflag:$0x1] =	stream.indirect.gather [hbm4b:s4+s14], $0x10, s3, s14, $0xb8;
	[tilespmem:$0x9620] =	vst v63  }
0x21: {  	_ = 	snop  }
0x22: {  	[tilespmem:s16], [sflag:$0x2] =	stream.indirect.gather [hbm4b:s4+s14], $0x10, s14, s14, $0xb8;
	[tilespmem:$0x9620] =	vst v63  }
0x23: {  	s29 =	simm.s32 $0x100  }
0x24: {  	[tilespmem:s18], [sflag:$0x3] =	stream.indirect.gather [hbm4b:s4+s14], $0x10, s29, s14, $0xb8;
	[tilespmem:$0x9620] =	vst v63  }
0x25: {  	s29 =	simm.s32 $0x180  }
0x26: {  	[tilespmem:s20], [sflag:$0x4] =	stream.indirect.gather [hbm4b:s4+s14], $0x10, s29, s14, $0xb8;
	[tilespmem:$0x9620] =	vst v63  }
0x27: {  	_ =	swait.ge [sflag:s21], $0x800  }
0x28: {  	[sflag:s21] =	ssyncset.done $0x0  }
0x29: {  	s29 =	simm.s32 $0x2710;
	[sflag:s21] =	ssyncadd.s32 $0xFFFFF800  }
0x2a: {  	[spmem:s2] =	stream.indirect.scatter.add.f32 [tilespmem:s15], [sflag:$0x5], $0x10, s29, s14, $0xb8;
	[tilespmem:$0x9620] =	vst v63  }
0x2b: {  	_ =	swait.ge [sflag:s12], $0x800  }
0x2c: {  	[sflag:s12] =	ssyncset.done $0x0  }
0x2d: {  	s29 =	simm.s32 $0x200;
	[sflag:s12] =	ssyncadd.s32 $0xFFFFF800  }
0x2e: {  	[tilespmem:s15], [sflag:$0x1] =	stream.indirect.gather [hbm4b:s4+s14], $0x10, s29, s14, $0xb8;
	[tilespmem:$0x9620] =	vst v63  }
0x2f: {  	_ =	swait.ge [sflag:s22], $0x800  }
0x30: {  	[sflag:s22] =	ssyncset.done $0x0  }
0x31: {  	s29 =	simm.s32 $0x2790;
	[sflag:s22] =	ssyncadd.s32 $0xFFFFF800  }
0x32: {  	[spmem:s2] =	stream.indirect.scatter.add.f32 [tilespmem:s16], [sflag:$0x5], $0x10, s29, s14, $0xb8;
	[tilespmem:$0x9620] =	vst v63  }
0x33: {  	_ =	swait.ge [sflag:s12], $0x800  }
0x34: {  	[sflag:s12] =	ssyncset.done $0x0  }
0x35: {  	s29 =	simm.s32 $0x280;
	[sflag:s12] =	ssyncadd.s32 $0xFFFFF800  }
0x36: {  	[tilespmem:s16], [sflag:$0x2] =	stream.indirect.gather [hbm4b:s4+s14], $0x10, s29, s14, $0xb8;
	[tilespmem:$0x9620] =	vst v63  }
0x37: {  	_ =	swait.ge [sflag:s23], $0x800  }
0x38: {  	[sflag:s23] =	ssyncset.done $0x0  }
0x39: {  	s29 =	simm.s32 $0x2810;
	[sflag:s23] =	ssyncadd.s32 $0xFFFFF800  }
0x3a: {  	[spmem:s2] =	stream.indirect.scatter.add.f32 [tilespmem:s18], [sflag:$0x5], $0x10, s29, s14, $0xb8;
	[tilespmem:$0x9620] =	vst v63  }
0x3b: {  	_ =	swait.ge [sflag:s12], $0x800  }
0x3c: {  	[sflag:s12] =	ssyncset.done $0x0  }
0x3d: {  	s29 =	simm.s32 $0x300;
	[sflag:s12] =	ssyncadd.s32 $0xFFFFF800  }
0x3e: {  	[tilespmem:s18], [sflag:$0x3] =	stream.indirect.gather [hbm4b:s4+s14], $0x10, s29, s14, $0xb8;
	[tilespmem:$0x9620] =	vst v63  }
0x3f: {  	_ =	swait.ge [sflag:s24], $0x800  }
0x40: {  	[sflag:s24] =	ssyncset.done $0x0  }
0x41: {  	s29 =	simm.s32 $0x2890;
	[sflag:s24] =	ssyncadd.s32 $0xFFFFF800  }
0x42: {  	[spmem:s2] =	stream.indirect.scatter.add.f32 [tilespmem:s20], [sflag:$0x5], $0x10, s29, s14, $0xb8;
	[tilespmem:$0x9620] =	vst v63  }
0x43: {  	_ =	swait.ge [sflag:s12], $0x800  }
0x44: {  	[sflag:s12] =	ssyncset.done $0x0  }
0x45: {  	s28 =	simm.s32 $0x380;
	s26 =	simm.s32 $0x800;
	[sflag:s12] =	ssyncadd.s32 $0xFFFFF800  }
.LBB2_2:
0x46: {  	[tilespmem:s20], [sflag:$0x4] =	stream.indirect.gather [hbm4b:s4+s14], $0x10, s28, s14, $0xb8;
	[tilespmem:$0x9620] =	vst v63  }
0x47: {  	s28 =	smov.u32 s26  }
0x48: {  	p0 =	sne.s32 s26, $0x8800;
	s26 =	sadd.s32 $0x800, s26;
	_ =	swait.ge [sflag:s21], $0x800  }
0x49: {  	s28 =	sshra.s32 s28, $0x2;
	[sflag:s21] =	ssyncset.done $0x0  }
0x4a: {  	s29 =	sadd.s32 $0x2710, s28;
	[sflag:s21] =	ssyncadd.s32 $0xFFFFF800  }
0x4b: {  	[spmem:s2] =	stream.indirect.scatter.add.f32 [tilespmem:s15], [sflag:$0x5], $0x10, s29, s14, $0xb8;
	[tilespmem:$0x9620] =	vst v63  }
0x4c: {  	_ =	swait.ge [sflag:s12], $0x800  }
0x4d: {  	[sflag:s12] =	ssyncset.done $0x0  }
0x4e: {  	s29 =	sadd.s32 $0x200, s28;
	[sflag:s12] =	ssyncadd.s32 $0xFFFFF800  }
0x4f: {  	[tilespmem:s15], [sflag:$0x1] =	stream.indirect.gather [hbm4b:s4+s14], $0x10, s29, s14, $0xb8;
	[tilespmem:$0x9620] =	vst v63  }
0x50: {  	_ =	swait.ge [sflag:s22], $0x800  }
0x51: {  	[sflag:s22] =	ssyncset.done $0x0  }
0x52: {  	s29 =	sadd.s32 $0x2790, s28;
	[sflag:s22] =	ssyncadd.s32 $0xFFFFF800  }
0x53: {  	[spmem:s2] =	stream.indirect.scatter.add.f32 [tilespmem:s16], [sflag:$0x5], $0x10, s29, s14, $0xb8;
	[tilespmem:$0x9620] =	vst v63  }
0x54: {  	_ =	swait.ge [sflag:s12], $0x800  }
0x55: {  	[sflag:s12] =	ssyncset.done $0x0  }
0x56: {  	s29 =	sadd.s32 $0x280, s28;
	[sflag:s12] =	ssyncadd.s32 $0xFFFFF800  }
0x57: {  	[tilespmem:s16], [sflag:$0x2] =	stream.indirect.gather [hbm4b:s4+s14], $0x10, s29, s14, $0xb8;
	[tilespmem:$0x9620] =	vst v63  }
0x58: {  	_ =	swait.ge [sflag:s23], $0x800  }
0x59: {  	[sflag:s23] =	ssyncset.done $0x0  }
0x5a: {  	s29 =	sadd.s32 $0x2810, s28;
	[sflag:s23] =	ssyncadd.s32 $0xFFFFF800  }
0x5b: {  	[spmem:s2] =	stream.indirect.scatter.add.f32 [tilespmem:s18], [sflag:$0x5], $0x10, s29, s14, $0xb8;
	[tilespmem:$0x9620] =	vst v63  }
0x5c: {  	_ =	swait.ge [sflag:s12], $0x800  }
0x5d: {  	[sflag:s12] =	ssyncset.done $0x0  }
0x5e: {  	s29 =	sadd.s32 $0x300, s28;
	[sflag:s12] =	ssyncadd.s32 $0xFFFFF800  }
0x5f: {  	[tilespmem:s18], [sflag:$0x3] =	stream.indirect.gather [hbm4b:s4+s14], $0x10, s29, s14, $0xb8;
	[tilespmem:$0x9620] =	vst v63  }
0x60: {  	_ =	swait.ge [sflag:s24], $0x800  }
0x61: {  	[sflag:s24] =	ssyncset.done $0x0  }
.Ltmp0:
0x62: {  	s29 =	sadd.s32 $0x2890, s28;
	[sflag:s24] =	ssyncadd.s32 $0xFFFFF800;
	(pc) =	sbr.rel @p0 .LBB2_2-.Ltmp0, $4  }
0x63: {  	[spmem:s2] =	stream.indirect.scatter.add.f32 [tilespmem:s20], [sflag:$0x5], $0x10, s29, s14, $0xb8;
	[tilespmem:$0x9620] =	vst v63  }
0x64: {  	_ =	swait.ge [sflag:s12], $0x800  }
0x65: {  	[sflag:s12] =	ssyncset.done $0x0  }
0x66: {  	s28 =	sadd.s32 $0x380, s28;
	[sflag:s12] =	ssyncadd.s32 $0xFFFFF800  }
0x67: {  	[tilespmem:s20], [sflag:$0x4] =	stream.indirect.gather [hbm4b:s4+s14], $0x10, s28, s14, $0xb8;
	[tilespmem:$0x9620] =	vst v63  }
0x68: {  	_ =	swait.ge [sflag:s21], $0x800  }
0x69: {  	[sflag:s21] =	ssyncset.done $0x0  }
0x6a: {  	s26 =	simm.s32 $0x4B10;
	[sflag:s21] =	ssyncadd.s32 $0xFFFFF800  }
0x6b: {  	[spmem:s2] =	stream.indirect.scatter.add.f32 [tilespmem:s15], [sflag:$0x5], $0x10, s26, s14, $0xb8;
	[tilespmem:$0x9620] =	vst v63  }
0x6c: {  	_ =	swait.ge [sflag:s12], $0x800  }
0x6d: {  	[sflag:s12] =	ssyncset.done $0x0  }
0x6e: {  	s29 =	simm.s32 $0x2600;
	[sflag:s12] =	ssyncadd.s32 $0xFFFFF800  }
0x6f: {  	[tilespmem:s15], [sflag:$0x1] =	stream.indirect.gather [hbm4b:s4+s14], $0x10, s29, s14, $0xb8;
	[tilespmem:$0x9620] =	vst v63  }
0x70: {  	_ =	swait.ge [sflag:s22], $0x800  }
0x71: {  	[sflag:s22] =	ssyncset.done $0x0  }
0x72: {  	s28 =	simm.s32 $0x4B90;
	[sflag:s22] =	ssyncadd.s32 $0xFFFFF800  }
0x73: {  	[spmem:s2] =	stream.indirect.scatter.add.f32 [tilespmem:s16], [sflag:$0x5], $0x10, s28, s14, $0xb8;
	[tilespmem:$0x9620] =	vst v63  }
0x74: {  	_ =	swait.ge [sflag:s12], $0x800  }
0x75: {  	[sflag:s12] =	ssyncset.done $0x0  }
0x76: {  	s29 =	simm.s32 $0x2680;
	[sflag:s12] =	ssyncadd.s32 $0xFFFFF800  }
0x77: {  	[tilespmem:s16], [sflag:$0x2] =	stream.indirect.gather [hbm4b:s4+s14], $0x10, s29, s14, $0xb8;
	[tilespmem:$0x9620] =	vst v63  }
0x78: {  	_ =	swait.ge [sflag:s23], $0x800  }
0x79: {  	[sflag:s23] =	ssyncset.done $0x0  }
0x7a: {  	[sflag:s23] =	ssyncadd.s32 $0xFFFFF800  }
0x7b: {  	[spmem:s2] =	stream.indirect.scatter.add.f32 [tilespmem:s18], [sflag:$0x5], $0x10, s30, s14, $0xb8;
	[tilespmem:$0x9620] =	vst v63  }
0x7c: {  	_ =	swait.ge [sflag:s12], $0x800  }
0x7d: {  	[sflag:s12] =	ssyncset.done $0x0  }
0x7e: {  	[sflag:s12] =	ssyncadd.s32 $0xFFFFF800  }
0x7f: {  	_ =	swait.ge [sflag:s24], $0x800  }
0x80: {  	[sflag:s24] =	ssyncset.done $0x0  }
0x81: {  	[sflag:s24] =	ssyncadd.s32 $0xFFFFF800  }
0x82: {  	[spmem:s2] =	stream.indirect.scatter.add.f32 [tilespmem:s20], [sflag:$0x5], $0x10, s31, s14, $0xb8;
	[tilespmem:$0x9620] =	vst v63  }
0x83: {  	_ =	swait.ge [sflag:s12], $0x800  }
0x84: {  	[sflag:s12] =	ssyncset.done $0x0  }
0x85: {  	[sflag:s12] =	ssyncadd.s32 $0xFFFFF800  }
0x86: {  	_ =	swait.ge [sflag:s21], $0x800  }
0x87: {  	[sflag:s21] =	ssyncset.done $0x0  }
0x88: {  	[sflag:s21] =	ssyncadd.s32 $0xFFFFF800  }
0x89: {  	[spmem:s2] =	stream.indirect.scatter.add.f32 [tilespmem:s15], [sflag:$0x5], $0x10, s1, s14, $0xb8;
	[tilespmem:$0x9620] =	vst v63  }
0x8a: {  	_ =	swait.ge [sflag:s12], $0x800  }
0x8b: {  	[sflag:s12] =	ssyncset.done $0x0  }
0x8c: {  	[sflag:s12] =	ssyncadd.s32 $0xFFFFF800  }
0x8d: {  	_ =	swait.ge [sflag:s22], $0x800  }
0x8e: {  	[sflag:s22] =	ssyncset.done $0x0  }
0x8f: {  	[sflag:s22] =	ssyncadd.s32 $0xFFFFF800  }
0x90: {  	[spmem:s2] =	stream.indirect.scatter.add.f32 [tilespmem:s16], [sflag:$0x5], $0x10, s0, s14, $0xb8;
	[tilespmem:$0x9620] =	vst v63  }
0x91: {  	_ =	swait.ge [sflag:s12], $0x800  }
0x92: {  	[sflag:s12] =	ssyncset.done $0x0  }
0x93: {  	[sflag:s12] =	ssyncadd.s32 $0xFFFFF800  }
0x94: {  	[tilespmem:s15], [sflag:$0x1] =	stream.indirect.gather [hbm4b:s4+s13], $0x10, s17, s13, $0xb8;
	[tilespmem:$0x9620] =	vst v63  }
0x95: {  	_ =	swait.ge [sflag:s21], $0x100  }
0x96: {  	[sflag:s21] =	ssyncset.done $0x0  }
0x97: {  	[sflag:s21] =	ssyncadd.s32 $0xFFFFFF00  }
0x98: {  	[spmem:s2] =	stream.indirect.scatter.add.f32 [tilespmem:s15], [sflag:$0x5], $0x10, s19, s13, $0xb8;
	[tilespmem:$0x9620] =	vst v63  }
0x99: {  	_ =	swait.ge [sflag:s12], $0x100  }
0x9a: {  	s25 =	sadd.s32 $0x1, s25;
	[sflag:s12] =	ssyncset.done $0x0  }
0x9b: {  	p0 =	sne.s32 s25, s10;
	[sflag:s12] =	ssyncadd.s32 $0xFFFFFF00  }
.Ltmp1:
0x9c: {  	[bflag:$0x0] =	sbarrier.arrive $0xFFFF;
	(pc) =	sbr.rel @p0 .LBB2_1-.Ltmp1, $4  }
0x9d: {  	[hbm:s9], [sflag:s6] =	dma.local [spmem:s11], $0x500  }
0x9e: {  	_ =	swait.ge [sflag:s12], $0x500  }
0x9f: {  	[sflag:s12] =	ssyncset.done $0x0  }
0xa0: {  	[sflag:s12] =	ssyncadd.s32 $0xFFFFFB00  }
0xa1: {  	_ =	sfence.sel $0x180000  }
0xa2: {  	[bflag:$0x0] =	sbarrier.arrive $0xFFFF  }
0xa3: {  	_ =	strace $0x9000004A  }
0xa4: {  	s0 =	stileid.u32;
	[bflag:$0x2] =	sbarrier.arrive $0xFFFF  }
0xa5: {  	p0 =	sne.s32 s0, $0x0;
	s0 =	rddreg [dreg:$0x2]  }
0xa6: {  	s0 =	sadd.s32 @!p0 $0x100000, s0  }
0xa7: {  	[sflag:s0] =	ssyncadd.tile.s32 @!p0 $0x1;
	_ =	shalt  }
.Lfunc_end2:
_tile_overlayer_lowered:
.L_overlay_start_2:
0xa8: {  	(tag) =	ssettag $0x2  }
0xa9: {  	s0 =	rddreg [dreg:$0x0];
	s2 =	stileid.u32  }
0xaa: {  	s1 =	rddreg [dreg:$0x1];
	p0 =	sne.s32 s2, $0x0  }
0xab: {  	s3 =	rddreg [dreg:$0x2];
	[bflag:$0x3] =	sbarrier.arrive $0xFFFF;
	s2 =	simm.s32 @!p0 $0x1C05  }
0xac: {  	[timem:s3], [sflag:s2] =	dma.local @!p0 [hbm:s0], s1  }
0xad: {  	s0 =	simm.s32 @!p0 $0x5  }
0xae: {  	_ =	swait.ge @!p0 [sflag:s0], s1  }
0xaf: {  	s1 =	ssub.s32 @!p0 $0x0, s1;
	[sflag:s0] =	ssyncset.done @!p0 $0x0  }
0xb0: {  	[sflag:s0] =	ssyncadd.s32 @!p0 s1  }
0xb1: {  	[bflag:$0x3] =	sbarrier.arrive $0xFFFF  }
0xb2: {  	_ =	shalt  }

// kernel: kernel.15.cloned.1.call-start
scs
__scs_entry_jumppad:
0x0: {  	(pc) =	sbr.rel $0x88, $3  }
0x1: {  	(tag) =	ssettag $0x0;
	lr =	simm.s32 $0x1  }
0x2: {  	[smem:$0x3F97] =	sst lr;
	_ =	strace $0xD0000000  }
0x3: {  	_ = 	snop  }
0x4: {  	_ = 	snop  }
0x5: {  	_ = 	snop  }
0x6: {  	_ = 	snop  }
0x7: {  	_ = 	snop  }
__scs_overlays_trampoline_lowered:
0x8: {  	[smem:$0x3FA6] =	sst s0  }
0x9: {  	[smem:$0x3FA7] =	sst s1  }
0xa: {  	[smem:$0x3FA8] =	sst s2  }
0xb: {  	[smem:$0x3FA9] =	sst s3  }
0xc: {  	[smem:$0x3FAA] =	sst s4  }
0xd: {  	[smem:$0x3FAB] =	sst s5  }
0xe: {  	[smem:$0x3FAC] =	sst s6  }
0xf: {  	[smem:$0x3FAD] =	sst s7  }
0x10: {  	[smem:$0x3FAE] =	sst s8  }
0x11: {  	[smem:$0x3FAF] =	sst s9;
	s0 =	simm.s32 @!p0 $0x0  }
0x12: {  	s1 =	sld [smem:$0x3F95];
	s0 =	simm.s32 @p0 $0x1  }
0x13: {  	[smem:$0x3FB0] =	sst s0;
	s0 =	simm.s32 @!p1 $0x0  }
0x14: {  	s2 =	sld [smem:$0x3F94];
	s0 =	simm.s32 @p1 $0x1  }
0x15: {  	[smem:$0x3FB1] =	sst s0;
	s0 =	simm.s32 @!p2 $0x0  }
0x16: {  	s3 =	sld [smem:$0x3FDB];
	s0 =	simm.s32 @p2 $0x1  }
0x17: {  	s4 =	simm.s32 $0x1BF5;
	[smem:$0x3FB3] =	sst s0  }
0x18: {  	s0 =	sld [smem:$0x3F96];
	_ =	swait.ge [sflag:s4], $0x0  }
0x19: {  	s7 =	sld [smem:$0x3F97]  }
0x1a: {  	s8 =	sadd.s32 $0xFFFFE003, lr  }
0x1b: {  	s9 =	sadd.s32 $0xFFFFFEF7, lr;
	s5 =	simm.s32 $0xFFFFFFFF;
	p2 =	slt.u32 s8, $0xFFFFF086  }
0x1c: {  	p1 =	slt.u32 s9, $0xF7A;
	s5 =	simm.s32 @!p2 $0x0  }
0x1d: {  	s5 =	simm.s32 @p1 $0x1;
	p0 =	seq.s32 s7, s2  }
0x1e: {  	s7 =	smul.u32 @!p0 $0xF7A, s2;
	p2 =	seq.s32 @!p0 s5, $0x0  }
0x1f: {  	s9 =	smul.u32 $0xF7A, s1;
	s8 =	simm.s32 @!p0 $0x1BF5;
	p2 =	por !p2, p0  }
0x20: {  	[sflag:s8] =	ssyncset.s32 @!p0 $0xFFFFF086;
	s6 =	sadd.s32 @!p0 s3, s7;
	s7 =	simm.s32 @!p0 $0x108  }
0x21: {  	s3 =	sadd.s32 s3, s9;
	s6 =	sadd.s32 @!p0 $0x88, s6;
	s7 =	simm.s32 @p2 $0x1082  }
0x22: {  	[simem:s7], [sflag:s8] =	dma.local @!p0 [hbm:s6], $0xF7A  }
0x23: {  	s9 =	sor.u32 $0xD0000000, s2;
	s6 =	simm.s32 $0x108;
	_ =	swait.ge @!p0 [sflag:s8], $0x0  }
0x24: {  	s3 =	sadd.s32 $0x88, s3;
	s6 =	simm.s32 @!p1 $0x1082;
	[sflag:s4] =	ssyncset.s32 $0xFFFFF086  }
0x25: {  	[simem:s6], [sflag:s4] =	dma.local [hbm:s3], $0xF7A  }
0x26: {  	[smem:$0x3F97] =	sst s1;
	(tag) =	ssettag s2;
	_ =	strace s9  }
0x27: {  	s1 =	sld [smem:$0x3FA7]  }
0x28: {  	s2 =	sld [smem:$0x3FA8]  }
0x29: {  	s4 =	sld [smem:$0x3FAA]  }
0x2a: {  	p0 =	seq.s32 s5, $0x0;
	s5 =	sld [smem:$0x3FAB]  }
0x2b: {  	s6 =	sld [smem:$0x3FAC]  }
0x2c: {  	s7 =	sld [smem:$0x3FAD]  }
0x2d: {  	s3 =	simm.s32 $0x108;
	s8 =	sld [smem:$0x3FAE]  }
0x2e: {  	s3 =	simm.s32 @!p0 $0x1082;
	s9 =	sld [smem:$0x3FAF]  }
0x2f: {  	lr =	sadd.s32 s0, s3;
	s0 =	sld [smem:$0x3FA6]  }
0x30: {  	s3 =	sld [smem:$0x3FA9]  }
0x31: {  	[smem:$0x3FB2] =	sst s10  }
0x32: {  	s10 =	sld [smem:$0x3FB0];
	_ =	sdelay $0x3  }
0x33: {  	p0 =	seq.s32 s10, $0x1;
	s10 =	sld [smem:$0x3FB2];
	_ =	sdelay $0x3  }
0x34: {  	[smem:$0x3FB2] =	sst s10  }
0x35: {  	s10 =	sld [smem:$0x3FB1];
	_ =	sdelay $0x3  }
0x36: {  	p1 =	seq.s32 s10, $0x1;
	s10 =	sld [smem:$0x3FB2];
	_ =	sdelay $0x3  }
0x37: {  	[smem:$0x3FB2] =	sst s10  }
0x38: {  	s10 =	sld [smem:$0x3FB3]  }
0x39: {  	_ = 	snop;
	(pc) =	sbr.ind lr, $3  }
0x3a: {  	_ = 	snop  }
0x3b: {  	_ = 	snop  }
0x3c: {  	p2 =	seq.s32 s10, $0x1;
	s10 =	sld [smem:$0x3FB2]  }
0x3d: {  	_ =	shalt  }
0x3e: {  	_ =	shalt  }
0x3f: {  	_ =	shalt  }
0x40: {  	_ =	shalt  }
0x41: {  	_ =	shalt  }
0x42: {  	_ =	shalt  }
0x43: {  	_ =	shalt  }
0x44: {  	_ =	shalt  }
0x45: {  	_ =	shalt  }
0x46: {  	_ =	shalt  }
0x47: {  	_ =	shalt  }
0x48: {  	_ =	shalt  }
0x49: {  	_ =	shalt  }
0x4a: {  	_ =	shalt  }
0x4b: {  	_ =	shalt  }
0x4c: {  	_ =	shalt  }
0x4d: {  	_ =	shalt  }
0x4e: {  	_ =	shalt  }
0x4f: {  	_ =	shalt  }
0x50: {  	_ =	shalt  }
0x51: {  	_ =	shalt  }
0x52: {  	_ =	shalt  }
0x53: {  	_ =	shalt  }
0x54: {  	_ =	shalt  }
0x55: {  	_ =	shalt  }
0x56: {  	_ =	shalt  }
0x57: {  	_ =	shalt  }
0x58: {  	_ =	shalt  }
0x59: {  	_ =	shalt  }
0x5a: {  	_ =	shalt  }
0x5b: {  	_ =	shalt  }
0x5c: {  	_ =	shalt  }
0x5d: {  	_ =	shalt  }
0x5e: {  	_ =	shalt  }
0x5f: {  	_ =	shalt  }
0x60: {  	_ =	shalt  }
0x61: {  	_ =	shalt  }
0x62: {  	_ =	shalt  }
0x63: {  	_ =	shalt  }
0x64: {  	_ =	shalt  }
0x65: {  	_ =	shalt  }
0x66: {  	_ =	shalt  }
0x67: {  	_ =	shalt  }
0x68: {  	_ =	shalt  }
0x69: {  	_ =	shalt  }
0x6a: {  	_ =	shalt  }
0x6b: {  	_ =	shalt  }
0x6c: {  	_ =	shalt  }
0x6d: {  	_ =	shalt  }
0x6e: {  	_ =	shalt  }
0x6f: {  	_ =	shalt  }
0x70: {  	_ =	shalt  }
0x71: {  	_ =	shalt  }
0x72: {  	_ =	shalt  }
0x73: {  	_ =	shalt  }
0x74: {  	_ =	shalt  }
0x75: {  	_ =	shalt  }
0x76: {  	_ =	shalt  }
0x77: {  	_ =	shalt  }
0x78: {  	_ =	shalt  }
0x79: {  	_ =	shalt  }
0x7a: {  	_ =	shalt  }
0x7b: {  	_ =	shalt  }
0x7c: {  	_ =	shalt  }
0x7d: {  	_ =	shalt  }
0x7e: {  	_ =	shalt  }
0x7f: {  	_ =	shalt  }
0x80: {  	_ =	shalt  }
0x81: {  	_ =	shalt  }
0x82: {  	_ =	shalt  }
0x83: {  	_ =	shalt  }
0x84: {  	_ =	shalt  }
0x85: {  	_ =	shalt  }
0x86: {  	_ =	shalt  }
0x87: {  	_ =	shalt  }
.Lfunc_end0:
.L_simem_size_0:
called_computation.2_lowered:
.L_overlay_start_0:
0x88: {  	s2 =	sld [smem:$0x3FD9]  }
0x89: {  	s3 =	sld [smem:$0x3FFE];
	_ =	sdelay $0x1  }
0x8a: {  	s1 =	srdreg.scid  }
0x8b: {  	s0 =	sand.u32 $0x1, s1  }
0x8c: {  	s14 =	sshll.u32 s0, $0xA;
	s2 =	sadd.s32 s3, s2  }
0x8d: {  	s2 =	sadd.s32 s2, s14  }
0x8e: {  	[smem:$0x3FBE] =	sst s2  }
0x8f: {  	_ = 	snop  }
0x90: {  	s2 =	sld [smem:$0x3FD0];
	_ =	sdelay $0x2  }
0x91: {  	s15 =	simm.s32 $0xA;
	s4 =	simm.s32 $0x10  }
0x92: {  	[smem:s4], [sflag:s15] =	dma.local [hbm:s2], $0x1  }
0x93: {  	_ =	swait.eq [sflag:s15], $0x1  }
0x94: {  	[sflag:s15] =	ssyncset.done $0x0  }
0x95: {  	[sflag:s15] =	ssyncadd.s32 $0xFFFFFFFF  }
0x96: {  	s16 =	sld [smem:$0x11];
	(tm) =	ssettm $0x1  }
0x97: {  	s17 =	sld [smem:$0x3FFB];
	_ =	sdelay $0x3  }
0x98: {  	_ =	strace s17  }
0x99: {  	s3 =	sld [smem:$0x3FFC];
	_ =	sdelay $0x3  }
0x9a: {  	_ =	strace s3  }
0x9b: {  	s3 =	sld [smem:$0x3FFD];
	_ =	sdelay $0x3  }
0x9c: {  	_ =	strace s3  }
0x9d: {  	_ =	strace $0x8FFFFFFF  }
0x9e: {  	s18 =	sld [smem:$0x3FDB];
	_ =	sdelay $0x1  }
0x9f: {  	s19 =	simm.s32 $_scs_section_size  }
0xa0: {  	s5 =	simm.s32 $_size__tile_overlayer_lowered;
	s6 =	simm.s32 $_tile_overlayer_lowered  }
0xa1: {  	s22 =	simm.s32 $0x1BFF;
	s21 =	sshll.u32 s6, $0x1;
	s3 =	sadd.s32 s19, s18  }
0xa2: {  	s7 =	simm.s32 $0x0;
	s20 =	sshll.u32 s5, $0x1;
	s5 =	sadd.s32 s21, s3  }
0xa3: {  	[timem:s7], [sflag:s22] =	dma.local [hbm:s5], s20  }
0xa4: {  	_ =	swait.ge [sflag:s22], s20  }
0xa5: {  	s4 =	ssub.s32 $0x0, s20;
	[sflag:s22] =	ssyncset.done $0x0  }
0xa6: {  	[sflag:s22] =	ssyncadd.s32 s4;
	_ =	sdelay $0x1  }
0xa7: {  	s23 =	simm.s32 $0x1B8B  }
0xa8: {  	_ =	swait.ge [sflag:s23], $0x1  }
0xa9: {  	[sflag:s23] =	ssyncset.done $0x0  }
0xaa: {  	s25 =	simm.s32 $0x1B8E;
	s24 =	sld [smem:$0x3FFE];
	[sflag:s23] =	ssyncadd.s32 $0xFFFFFFFF  }
0xab: {  	s26 =	simm.s32 $execute0_lowered;
	[smem:$0x3FD2] =	sst s25  }
0xac: {  	s5 =	sshll.u32 s26, $0x1;
	_ =	strace $0x8000004C;
	[dreg:$0x1] =	wrdreg $0xFFFFFFFF  }
0xad: {  	s28 =	simm.s32 $_size_execute0_lowered;
	s3 =	sadd.s32 s3, s5;
	[dreg:$0x0] =	wrdreg $0x0  }
0xae: {  	s5 =	sshll.u32 s28, $0x1;
	[dreg:$0x2] =	wrdreg s3  }
0xaf: {  	[dreg:$0x3] =	wrdreg s5  }
0xb0: {  	[dreg:$0x4] =	wrdreg $0xC0  }
0xb1: {  	_ =	task [dreg:s7], $0x5FFFF  }
0xb2: {  	[dreg:$0x1] =	wrdreg $0xFFFFFFFF  }
0xb3: {  	[dreg:$0x0] =	wrdreg $0x60  }
0xb4: {  	[dreg:$0x2] =	wrdreg s24  }
0xb5: {  	[dreg:$0x3] =	wrdreg s16  }
0xb6: {  	[dreg:$0x4] =	wrdreg $0x6E200  }
0xb7: {  	[dreg:$0x5] =	wrdreg $0x9  }
0xb8: {  	_ =	task.clear_ibuf [dreg:s7], $0x6FFFF;
	_ =	strace $0x9000004C  }
0xb9: {  	s29 =	simm.s32 $0x9;
	_ =	strace $0x8000004E  }
0xba: {  	_ =	swait.ge [sflag:s29], $0x1  }
0xbb: {  	[sflag:s29] =	ssyncadd.s32 $0xFFFFFFFF  }
0xbc: {  	_ =	strace $0x9000004E  }
0xbd: {  	_ =	sfence  }
0xbe: {  	s30 =	sld [smem:$0x0];
	_ =	sdelay $0x2  }
0xbf: {  	s31 =	sshll.u32 s1, $0xD;
	s1 =	sshrl.u32 s1, $0x2  }
0xc0: {  	s3 =	sand.u32 $0x4000, s31;
	s1 =	sadd.s32 s1, s30  }
0xc1: {  	s0 =	sor.u32 s3, s0;
	s1 =	sshll.u32 s1, $0x11  }
0xc2: {  	s0 =	sor.u32 s1, s0  }
0xc3: {  	s0 =	sadd.s32 $0x8F2B, s0  }
0xc4: {  	[sflag:s0] =	ssyncadd.remote.s32 $0x1  }
0xc5: {  	_ =	sfence.sel $0xFFFF  }
0xc6: {  	[dreg:$0x0] =	wrdreg $0xFFFFFFFF;
	(pc) =	sbr.abs _section_cstart, $3  }
0xc7: {  	[dreg:$0x1] =	wrdreg $0xFFFFFFFF  }
0xc8: {  	_ =	task.clear_ibuf [dreg:s7], $0x2FFFF;
	_ =	strace $0x9FFFFFFF  }
0xc9: {  	(tm) =	ssettm $0x7FFFFFFF  }
tec
execute0_lowered:
.L_overlay_start_1:
0x0: {  	(tag) =	ssettag $0x1  }
0x1: {  	s0 =	rddreg [dreg:$0x0]  }
0x2: {  	s1 =	srdreg.scid;
	s9 =	rddreg [dreg:$0x1]  }
0x3: {  	s2 =	rddreg [dreg:$0x2];
	s13 =	stileid.u32;
	s3 =	simm.s32 $0x0  }
0x4: {  	s14 =	simm.s32 $0x80;
	s15 =	simm.s32 $0x4E20;
	s16 =	simm.s32 $0x5620  }
0x5: {  	s18 =	simm.s32 $0x5E20;
	s20 =	simm.s32 $0x6620;
	s21 =	simm.s32 $0x1  }
0x6: {  	s22 =	simm.s32 $0x2;
	s23 =	simm.s32 $0x3;
	s24 =	simm.s32 $0x4  }
0x7: {  	s30 =	simm.s32 $0x4C10;
	s31 =	simm.s32 $0x4C90;
	s17 =	simm.s32 $0x2700  }
0x8: {  	s19 =	simm.s32 $0x4E10;
	s25 =	simm.s32 $0x0;
	s1 =	sand.u32 $0x1, s1  }
0x9: {  	[smem:$0x7FF] =	sst s3;
	s6 =	smul.u32 $0x2800, s13;
	s28 =	sshll.u32 s13, $0x6  }
0xa: {  	s4 =	sshll.u32 s1, $0x4;
	_ =	strace $0x8000004D;
	s7 =	ssub.s32 $0x2, s1  }
0xb: {  	s1 =	smul.u32 $0x28000, s1;
	s4 =	sor.u32 s13, s4;
	s8 =	sshrl.u32 s6, $0x3  }
0xc: {  	s10 =	sshrl.u32 s7, $0x1;
	s12 =	sadd.s32 s6, s2;
	s13 =	simm.s32 $0x10  }
0xd: {  	s5 =	smul.u32 $0x2710, s4;
	s4 =	sadd.s32 $0x6BC00, s0;
	s1 =	sadd.s32 s6, s1  }
0xe: {  	s10 =	ssub.s32 s7, s10;
	s6 =	sor.u32 $0x1C05, s28;
	s29 =	sshrl.u32 s1, $0x3  }
0xf: {  	s10 =	smax.u32 s10, $0x1;
	s1 =	simm.s32 $0x4D90;
	s5 =	sshrl.u32 s5, $0x3  }
0x10: {  	s9 =	sadd.s32 s9, s29;
	s11 =	sadd.s32 s5, s0;
	s0 =	sadd.s32 s8, s0  }
0x11: {  	s5 =	sadd.s32 $0x16C00, s0;
	s7 =	sadd.s32 $0x3200, s11;
	s8 =	sadd.s32 $0xCE40, s11  }
0x12: {  	s11 =	sshrl.u32 s12, $0x3;
	s12 =	simm.s32 $0x5;
	s0 =	simm.s32 $0x4D10  }
.LBB2_1:
0x13: {  	[spmem:s11], [sflag:s6] =	dma.local [hbm:s5], $0x500  }
0x14: {  	_ =	swait.ge [sflag:s12], $0x500  }
0x15: {  	[sflag:s12] =	ssyncset.done $0x0  }
0x16: {  	[sflag:s12] =	ssyncadd.s32 $0xFFFFFB00  }
0x17: {  	[tilespmem:s3], [sflag:$0x5] =	stream.linear.gather [hbm4b:s7+s3], $0x2710, $0x38;
	[tilespmem:$0x9620] =	vst v63  }
0x18: {  	_ =	swait.ge [sflag:s12], $0x2710  }
0x19: {  	[sflag:s12] =	ssyncset.done $0x0  }
0x1a: {  	s26 =	simm.s32 $0x2710;
	[sflag:s12] =	ssyncadd.s32 $0xFFFFD8F0  }
0x1b: {  	[tilespmem:s26], [sflag:$0x5] =	stream.linear.gather [hbm4b:s8+s3], $0x2710, $0x38;
	[tilespmem:$0x9620] =	vst v63  }
0x1c: {  	_ =	swait.ge [sflag:s12], $0x2710  }
0x1d: {  	[sflag:s12] =	ssyncset.done $0x0  }
0x1e: {  	[sflag:s12] =	ssyncadd.s32 $0xFFFFD8F0  }
0x1f: {  	[bflag:$0x0] =	sbarrier.arrive $0xFFFF  }
0x20: {  	[tilespmem:s15], [sflag:$0x1] =	stream.indirect.gather [hbm4b:s4+s14], $0x10, s3, s14, $0xb8;
	[tilespmem:$0x9620] =	vst v63  }
0x21: {  	_ = 	snop  }
0x22: {  	[tilespmem:s16], [sflag:$0x2] =	stream.indirect.gather [hbm4b:s4+s14], $0x10, s14, s14, $0xb8;
	[tilespmem:$0x9620] =	vst v63  }
0x23: {  	s29 =	simm.s32 $0x100  }
0x24: {  	[tilespmem:s18], [sflag:$0x3] =	stream.indirect.gather [hbm4b:s4+s14], $0x10, s29, s14, $0xb8;
	[tilespmem:$0x9620] =	vst v63  }
0x25: {  	s29 =	simm.s32 $0x180  }
0x26: {  	[tilespmem:s20], [sflag:$0x4] =	stream.indirect.gather [hbm4b:s4+s14], $0x10, s29, s14, $0xb8;
	[tilespmem:$0x9620] =	vst v63  }
0x27: {  	_ =	swait.ge [sflag:s21], $0x800  }
0x28: {  	[sflag:s21] =	ssyncset.done $0x0  }
0x29: {  	s29 =	simm.s32 $0x2710;
	[sflag:s21] =	ssyncadd.s32 $0xFFFFF800  }
0x2a: {  	[spmem:s2] =	stream.indirect.scatter.add.f32 [tilespmem:s15], [sflag:$0x5], $0x10, s29, s14, $0xb8;
	[tilespmem:$0x9620] =	vst v63  }
0x2b: {  	_ =	swait.ge [sflag:s12], $0x800  }
0x2c: {  	[sflag:s12] =	ssyncset.done $0x0  }
0x2d: {  	s29 =	simm.s32 $0x200;
	[sflag:s12] =	ssyncadd.s32 $0xFFFFF800  }
0x2e: {  	[tilespmem:s15], [sflag:$0x1] =	stream.indirect.gather [hbm4b:s4+s14], $0x10, s29, s14, $0xb8;
	[tilespmem:$0x9620] =	vst v63  }
0x2f: {  	_ =	swait.ge [sflag:s22], $0x800  }
0x30: {  	[sflag:s22] =	ssyncset.done $0x0  }
0x31: {  	s29 =	simm.s32 $0x2790;
	[sflag:s22] =	ssyncadd.s32 $0xFFFFF800  }
0x32: {  	[spmem:s2] =	stream.indirect.scatter.add.f32 [tilespmem:s16], [sflag:$0x5], $0x10, s29, s14, $0xb8;
	[tilespmem:$0x9620] =	vst v63  }
0x33: {  	_ =	swait.ge [sflag:s12], $0x800  }
0x34: {  	[sflag:s12] =	ssyncset.done $0x0  }
0x35: {  	s29 =	simm.s32 $0x280;
	[sflag:s12] =	ssyncadd.s32 $0xFFFFF800  }
0x36: {  	[tilespmem:s16], [sflag:$0x2] =	stream.indirect.gather [hbm4b:s4+s14], $0x10, s29, s14, $0xb8;
	[tilespmem:$0x9620] =	vst v63  }
0x37: {  	_ =	swait.ge [sflag:s23], $0x800  }
0x38: {  	[sflag:s23] =	ssyncset.done $0x0  }
0x39: {  	s29 =	simm.s32 $0x2810;
	[sflag:s23] =	ssyncadd.s32 $0xFFFFF800  }
0x3a: {  	[spmem:s2] =	stream.indirect.scatter.add.f32 [tilespmem:s18], [sflag:$0x5], $0x10, s29, s14, $0xb8;
	[tilespmem:$0x9620] =	vst v63  }
0x3b: {  	_ =	swait.ge [sflag:s12], $0x800  }
0x3c: {  	[sflag:s12] =	ssyncset.done $0x0  }
0x3d: {  	s29 =	simm.s32 $0x300;
	[sflag:s12] =	ssyncadd.s32 $0xFFFFF800  }
0x3e: {  	[tilespmem:s18], [sflag:$0x3] =	stream.indirect.gather [hbm4b:s4+s14], $0x10, s29, s14, $0xb8;
	[tilespmem:$0x9620] =	vst v63  }
0x3f: {  	_ =	swait.ge [sflag:s24], $0x800  }
0x40: {  	[sflag:s24] =	ssyncset.done $0x0  }
0x41: {  	s29 =	simm.s32 $0x2890;
	[sflag:s24] =	ssyncadd.s32 $0xFFFFF800  }
0x42: {  	[spmem:s2] =	stream.indirect.scatter.add.f32 [tilespmem:s20], [sflag:$0x5], $0x10, s29, s14, $0xb8;
	[tilespmem:$0x9620] =	vst v63  }
0x43: {  	_ =	swait.ge [sflag:s12], $0x800  }
0x44: {  	[sflag:s12] =	ssyncset.done $0x0  }
0x45: {  	s28 =	simm.s32 $0x380;
	s26 =	simm.s32 $0x800;
	[sflag:s12] =	ssyncadd.s32 $0xFFFFF800  }
.LBB2_2:
0x46: {  	[tilespmem:s20], [sflag:$0x4] =	stream.indirect.gather [hbm4b:s4+s14], $0x10, s28, s14, $0xb8;
	[tilespmem:$0x9620] =	vst v63  }
0x47: {  	s28 =	smov.u32 s26  }
0x48: {  	p0 =	sne.s32 s26, $0x8800;
	s26 =	sadd.s32 $0x800, s26;
	_ =	swait.ge [sflag:s21], $0x800  }
0x49: {  	s28 =	sshra.s32 s28, $0x2;
	[sflag:s21] =	ssyncset.done $0x0  }
0x4a: {  	s29 =	sadd.s32 $0x2710, s28;
	[sflag:s21] =	ssyncadd.s32 $0xFFFFF800  }
0x4b: {  	[spmem:s2] =	stream.indirect.scatter.add.f32 [tilespmem:s15], [sflag:$0x5], $0x10, s29, s14, $0xb8;
	[tilespmem:$0x9620] =	vst v63  }
0x4c: {  	_ =	swait.ge [sflag:s12], $0x800  }
0x4d: {  	[sflag:s12] =	ssyncset.done $0x0  }
0x4e: {  	s29 =	sadd.s32 $0x200, s28;
	[sflag:s12] =	ssyncadd.s32 $0xFFFFF800  }
0x4f: {  	[tilespmem:s15], [sflag:$0x1] =	stream.indirect.gather [hbm4b:s4+s14], $0x10, s29, s14, $0xb8;
	[tilespmem:$0x9620] =	vst v63  }
0x50: {  	_ =	swait.ge [sflag:s22], $0x800  }
0x51: {  	[sflag:s22] =	ssyncset.done $0x0  }
0x52: {  	s29 =	sadd.s32 $0x2790, s28;
	[sflag:s22] =	ssyncadd.s32 $0xFFFFF800  }
0x53: {  	[spmem:s2] =	stream.indirect.scatter.add.f32 [tilespmem:s16], [sflag:$0x5], $0x10, s29, s14, $0xb8;
	[tilespmem:$0x9620] =	vst v63  }
0x54: {  	_ =	swait.ge [sflag:s12], $0x800  }
0x55: {  	[sflag:s12] =	ssyncset.done $0x0  }
0x56: {  	s29 =	sadd.s32 $0x280, s28;
	[sflag:s12] =	ssyncadd.s32 $0xFFFFF800  }
0x57: {  	[tilespmem:s16], [sflag:$0x2] =	stream.indirect.gather [hbm4b:s4+s14], $0x10, s29, s14, $0xb8;
	[tilespmem:$0x9620] =	vst v63  }
0x58: {  	_ =	swait.ge [sflag:s23], $0x800  }
0x59: {  	[sflag:s23] =	ssyncset.done $0x0  }
0x5a: {  	s29 =	sadd.s32 $0x2810, s28;
	[sflag:s23] =	ssyncadd.s32 $0xFFFFF800  }
0x5b: {  	[spmem:s2] =	stream.indirect.scatter.add.f32 [tilespmem:s18], [sflag:$0x5], $0x10, s29, s14, $0xb8;
	[tilespmem:$0x9620] =	vst v63  }
0x5c: {  	_ =	swait.ge [sflag:s12], $0x800  }
0x5d: {  	[sflag:s12] =	ssyncset.done $0x0  }
0x5e: {  	s29 =	sadd.s32 $0x300, s28;
	[sflag:s12] =	ssyncadd.s32 $0xFFFFF800  }
0x5f: {  	[tilespmem:s18], [sflag:$0x3] =	stream.indirect.gather [hbm4b:s4+s14], $0x10, s29, s14, $0xb8;
	[tilespmem:$0x9620] =	vst v63  }
0x60: {  	_ =	swait.ge [sflag:s24], $0x800  }
0x61: {  	[sflag:s24] =	ssyncset.done $0x0  }
.Ltmp0:
0x62: {  	s29 =	sadd.s32 $0x2890, s28;
	[sflag:s24] =	ssyncadd.s32 $0xFFFFF800;
	(pc) =	sbr.rel @p0 .LBB2_2-.Ltmp0, $4  }
0x63: {  	[spmem:s2] =	stream.indirect.scatter.add.f32 [tilespmem:s20], [sflag:$0x5], $0x10, s29, s14, $0xb8;
	[tilespmem:$0x9620] =	vst v63  }
0x64: {  	_ =	swait.ge [sflag:s12], $0x800  }
0x65: {  	[sflag:s12] =	ssyncset.done $0x0  }
0x66: {  	s28 =	sadd.s32 $0x380, s28;
	[sflag:s12] =	ssyncadd.s32 $0xFFFFF800  }
0x67: {  	[tilespmem:s20], [sflag:$0x4] =	stream.indirect.gather [hbm4b:s4+s14], $0x10, s28, s14, $0xb8;
	[tilespmem:$0x9620] =	vst v63  }
0x68: {  	_ =	swait.ge [sflag:s21], $0x800  }
0x69: {  	[sflag:s21] =	ssyncset.done $0x0  }
0x6a: {  	s26 =	simm.s32 $0x4B10;
	[sflag:s21] =	ssyncadd.s32 $0xFFFFF800  }
0x6b: {  	[spmem:s2] =	stream.indirect.scatter.add.f32 [tilespmem:s15], [sflag:$0x5], $0x10, s26, s14, $0xb8;
	[tilespmem:$0x9620] =	vst v63  }
0x6c: {  	_ =	swait.ge [sflag:s12], $0x800  }
0x6d: {  	[sflag:s12] =	ssyncset.done $0x0  }
0x6e: {  	s29 =	simm.s32 $0x2600;
	[sflag:s12] =	ssyncadd.s32 $0xFFFFF800  }
0x6f: {  	[tilespmem:s15], [sflag:$0x1] =	stream.indirect.gather [hbm4b:s4+s14], $0x10, s29, s14, $0xb8;
	[tilespmem:$0x9620] =	vst v63  }
0x70: {  	_ =	swait.ge [sflag:s22], $0x800  }
0x71: {  	[sflag:s22] =	ssyncset.done $0x0  }
0x72: {  	s28 =	simm.s32 $0x4B90;
	[sflag:s22] =	ssyncadd.s32 $0xFFFFF800  }
0x73: {  	[spmem:s2] =	stream.indirect.scatter.add.f32 [tilespmem:s16], [sflag:$0x5], $0x10, s28, s14, $0xb8;
	[tilespmem:$0x9620] =	vst v63  }
0x74: {  	_ =	swait.ge [sflag:s12], $0x800  }
0x75: {  	[sflag:s12] =	ssyncset.done $0x0  }
0x76: {  	s29 =	simm.s32 $0x2680;
	[sflag:s12] =	ssyncadd.s32 $0xFFFFF800  }
0x77: {  	[tilespmem:s16], [sflag:$0x2] =	stream.indirect.gather [hbm4b:s4+s14], $0x10, s29, s14, $0xb8;
	[tilespmem:$0x9620] =	vst v63  }
0x78: {  	_ =	swait.ge [sflag:s23], $0x800  }
0x79: {  	[sflag:s23] =	ssyncset.done $0x0  }
0x7a: {  	[sflag:s23] =	ssyncadd.s32 $0xFFFFF800  }
0x7b: {  	[spmem:s2] =	stream.indirect.scatter.add.f32 [tilespmem:s18], [sflag:$0x5], $0x10, s30, s14, $0xb8;
	[tilespmem:$0x9620] =	vst v63  }
0x7c: {  	_ =	swait.ge [sflag:s12], $0x800  }
0x7d: {  	[sflag:s12] =	ssyncset.done $0x0  }
0x7e: {  	[sflag:s12] =	ssyncadd.s32 $0xFFFFF800  }
0x7f: {  	_ =	swait.ge [sflag:s24], $0x800  }
0x80: {  	[sflag:s24] =	ssyncset.done $0x0  }
0x81: {  	[sflag:s24] =	ssyncadd.s32 $0xFFFFF800  }
0x82: {  	[spmem:s2] =	stream.indirect.scatter.add.f32 [tilespmem:s20], [sflag:$0x5], $0x10, s31, s14, $0xb8;
	[tilespmem:$0x9620] =	vst v63  }
0x83: {  	_ =	swait.ge [sflag:s12], $0x800  }
0x84: {  	[sflag:s12] =	ssyncset.done $0x0  }
0x85: {  	[sflag:s12] =	ssyncadd.s32 $0xFFFFF800  }
0x86: {  	_ =	swait.ge [sflag:s21], $0x800  }
0x87: {  	[sflag:s21] =	ssyncset.done $0x0  }
0x88: {  	[sflag:s21] =	ssyncadd.s32 $0xFFFFF800  }
0x89: {  	[spmem:s2] =	stream.indirect.scatter.add.f32 [tilespmem:s15], [sflag:$0x5], $0x10, s0, s14, $0xb8;
	[tilespmem:$0x9620] =	vst v63  }
0x8a: {  	_ =	swait.ge [sflag:s12], $0x800  }
0x8b: {  	[sflag:s12] =	ssyncset.done $0x0  }
0x8c: {  	[sflag:s12] =	ssyncadd.s32 $0xFFFFF800  }
0x8d: {  	_ =	swait.ge [sflag:s22], $0x800  }
0x8e: {  	[sflag:s22] =	ssyncset.done $0x0  }
0x8f: {  	[sflag:s22] =	ssyncadd.s32 $0xFFFFF800  }
0x90: {  	[spmem:s2] =	stream.indirect.scatter.add.f32 [tilespmem:s16], [sflag:$0x5], $0x10, s1, s14, $0xb8;
	[tilespmem:$0x9620] =	vst v63  }
0x91: {  	_ =	swait.ge [sflag:s12], $0x800  }
0x92: {  	[sflag:s12] =	ssyncset.done $0x0  }
0x93: {  	[sflag:s12] =	ssyncadd.s32 $0xFFFFF800  }
0x94: {  	[tilespmem:s15], [sflag:$0x1] =	stream.indirect.gather [hbm4b:s4+s13], $0x10, s17, s13, $0xb8;
	[tilespmem:$0x9620] =	vst v63  }
0x95: {  	_ =	swait.ge [sflag:s21], $0x100  }
0x96: {  	[sflag:s21] =	ssyncset.done $0x0  }
0x97: {  	[sflag:s21] =	ssyncadd.s32 $0xFFFFFF00  }
0x98: {  	[spmem:s2] =	stream.indirect.scatter.add.f32 [tilespmem:s15], [sflag:$0x5], $0x10, s19, s13, $0xb8;
	[tilespmem:$0x9620] =	vst v63  }
0x99: {  	_ =	swait.ge [sflag:s12], $0x100  }
0x9a: {  	s25 =	sadd.s32 $0x1, s25;
	[sflag:s12] =	ssyncset.done $0x0  }
0x9b: {  	p0 =	sne.s32 s25, s10;
	[sflag:s12] =	ssyncadd.s32 $0xFFFFFF00  }
.Ltmp1:
0x9c: {  	[bflag:$0x0] =	sbarrier.arrive $0xFFFF;
	(pc) =	sbr.rel @p0 .LBB2_1-.Ltmp1, $4  }
0x9d: {  	[hbm:s9], [sflag:s6] =	dma.local [spmem:s11], $0x500  }
0x9e: {  	_ =	swait.ge [sflag:s12], $0x500  }
0x9f: {  	[sflag:s12] =	ssyncset.done $0x0  }
0xa0: {  	[sflag:s12] =	ssyncadd.s32 $0xFFFFFB00  }
0xa1: {  	_ =	sfence.sel $0x180000  }
0xa2: {  	[bflag:$0x0] =	sbarrier.arrive $0xFFFF  }
0xa3: {  	_ =	strace $0x9000004D  }
0xa4: {  	s0 =	stileid.u32;
	[bflag:$0x2] =	sbarrier.arrive $0xFFFF  }
0xa5: {  	p0 =	sne.s32 s0, $0x0;
	s0 =	rddreg [dreg:$0x3]  }
0xa6: {  	s0 =	sadd.s32 @!p0 $0x100000, s0  }
0xa7: {  	[sflag:s0] =	ssyncadd.tile.s32 @!p0 $0x1;
	_ =	shalt  }
.Lfunc_end2:
_tile_overlayer_lowered:
.L_overlay_start_2:
0xa8: {  	(tag) =	ssettag $0x2  }
0xa9: {  	s0 =	rddreg [dreg:$0x0];
	s2 =	stileid.u32  }
0xaa: {  	s1 =	rddreg [dreg:$0x1];
	p0 =	sne.s32 s2, $0x0  }
0xab: {  	s3 =	rddreg [dreg:$0x2];
	[bflag:$0x3] =	sbarrier.arrive $0xFFFF;
	s2 =	simm.s32 @!p0 $0x1C05  }
0xac: {  	[timem:s3], [sflag:s2] =	dma.local @!p0 [hbm:s0], s1  }
0xad: {  	s0 =	simm.s32 @!p0 $0x5  }
0xae: {  	_ =	swait.ge @!p0 [sflag:s0], s1  }
0xaf: {  	s1 =	ssub.s32 @!p0 $0x0, s1;
	[sflag:s0] =	ssyncset.done @!p0 $0x0  }
0xb0: {  	[sflag:s0] =	ssyncadd.s32 @!p0 s1  }
0xb1: {  	[bflag:$0x3] =	sbarrier.arrive $0xFFFF  }
0xb2: {  	_ =	shalt  }

// kernel: kernel.9.cloned.1.call-start
scs
__scs_entry_jumppad:
0x0: {  	(pc) =	sbr.rel $0x88, $3  }
0x1: {  	(tag) =	ssettag $0x0;
	lr =	simm.s32 $0x1  }
0x2: {  	[smem:$0x3F97] =	sst lr;
	_ =	strace $0xD0000000  }
0x3: {  	_ = 	snop  }
0x4: {  	_ = 	snop  }
0x5: {  	_ = 	snop  }
0x6: {  	_ = 	snop  }
0x7: {  	_ = 	snop  }
__scs_overlays_trampoline_lowered:
0x8: {  	[smem:$0x3FA6] =	sst s0  }
0x9: {  	[smem:$0x3FA7] =	sst s1  }
0xa: {  	[smem:$0x3FA8] =	sst s2  }
0xb: {  	[smem:$0x3FA9] =	sst s3  }
0xc: {  	[smem:$0x3FAA] =	sst s4  }
0xd: {  	[smem:$0x3FAB] =	sst s5  }
0xe: {  	[smem:$0x3FAC] =	sst s6  }
0xf: {  	[smem:$0x3FAD] =	sst s7  }
0x10: {  	[smem:$0x3FAE] =	sst s8  }
0x11: {  	[smem:$0x3FAF] =	sst s9;
	s0 =	simm.s32 @!p0 $0x0  }
0x12: {  	s1 =	sld [smem:$0x3F95];
	s0 =	simm.s32 @p0 $0x1  }
0x13: {  	[smem:$0x3FB0] =	sst s0;
	s0 =	simm.s32 @!p1 $0x0  }
0x14: {  	s2 =	sld [smem:$0x3F94];
	s0 =	simm.s32 @p1 $0x1  }
0x15: {  	[smem:$0x3FB1] =	sst s0;
	s0 =	simm.s32 @!p2 $0x0  }
0x16: {  	s3 =	sld [smem:$0x3FDB];
	s0 =	simm.s32 @p2 $0x1  }
0x17: {  	s4 =	simm.s32 $0x1BF5;
	[smem:$0x3FB3] =	sst s0  }
0x18: {  	s0 =	sld [smem:$0x3F96];
	_ =	swait.ge [sflag:s4], $0x0  }
0x19: {  	s7 =	sld [smem:$0x3F97]  }
0x1a: {  	s8 =	sadd.s32 $0xFFFFE003, lr  }
0x1b: {  	s9 =	sadd.s32 $0xFFFFFEF7, lr;
	s5 =	simm.s32 $0xFFFFFFFF;
	p2 =	slt.u32 s8, $0xFFFFF086  }
0x1c: {  	p1 =	slt.u32 s9, $0xF7A;
	s5 =	simm.s32 @!p2 $0x0  }
0x1d: {  	s5 =	simm.s32 @p1 $0x1;
	p0 =	seq.s32 s7, s2  }
0x1e: {  	s7 =	smul.u32 @!p0 $0xF7A, s2;
	p2 =	seq.s32 @!p0 s5, $0x0  }
0x1f: {  	s9 =	smul.u32 $0xF7A, s1;
	s8 =	simm.s32 @!p0 $0x1BF5;
	p2 =	por !p2, p0  }
0x20: {  	[sflag:s8] =	ssyncset.s32 @!p0 $0xFFFFF086;
	s6 =	sadd.s32 @!p0 s3, s7;
	s7 =	simm.s32 @!p0 $0x108  }
0x21: {  	s3 =	sadd.s32 s3, s9;
	s6 =	sadd.s32 @!p0 $0x88, s6;
	s7 =	simm.s32 @p2 $0x1082  }
0x22: {  	[simem:s7], [sflag:s8] =	dma.local @!p0 [hbm:s6], $0xF7A  }
0x23: {  	s9 =	sor.u32 $0xD0000000, s2;
	s6 =	simm.s32 $0x108;
	_ =	swait.ge @!p0 [sflag:s8], $0x0  }
0x24: {  	s3 =	sadd.s32 $0x88, s3;
	s6 =	simm.s32 @!p1 $0x1082;
	[sflag:s4] =	ssyncset.s32 $0xFFFFF086  }
0x25: {  	[simem:s6], [sflag:s4] =	dma.local [hbm:s3], $0xF7A  }
0x26: {  	[smem:$0x3F97] =	sst s1;
	(tag) =	ssettag s2;
	_ =	strace s9  }
0x27: {  	s1 =	sld [smem:$0x3FA7]  }
0x28: {  	s2 =	sld [smem:$0x3FA8]  }
0x29: {  	s4 =	sld [smem:$0x3FAA]  }
0x2a: {  	p0 =	seq.s32 s5, $0x0;
	s5 =	sld [smem:$0x3FAB]  }
0x2b: {  	s6 =	sld [smem:$0x3FAC]  }
0x2c: {  	s7 =	sld [smem:$0x3FAD]  }
0x2d: {  	s3 =	simm.s32 $0x108;
	s8 =	sld [smem:$0x3FAE]  }
0x2e: {  	s3 =	simm.s32 @!p0 $0x1082;
	s9 =	sld [smem:$0x3FAF]  }
0x2f: {  	lr =	sadd.s32 s0, s3;
	s0 =	sld [smem:$0x3FA6]  }
0x30: {  	s3 =	sld [smem:$0x3FA9]  }
0x31: {  	[smem:$0x3FB2] =	sst s10  }
0x32: {  	s10 =	sld [smem:$0x3FB0];
	_ =	sdelay $0x3  }
0x33: {  	p0 =	seq.s32 s10, $0x1;
	s10 =	sld [smem:$0x3FB2];
	_ =	sdelay $0x3  }
0x34: {  	[smem:$0x3FB2] =	sst s10  }
0x35: {  	s10 =	sld [smem:$0x3FB1];
	_ =	sdelay $0x3  }
0x36: {  	p1 =	seq.s32 s10, $0x1;
	s10 =	sld [smem:$0x3FB2];
	_ =	sdelay $0x3  }
0x37: {  	[smem:$0x3FB2] =	sst s10  }
0x38: {  	s10 =	sld [smem:$0x3FB3]  }
0x39: {  	_ = 	snop;
	(pc) =	sbr.ind lr, $3  }
0x3a: {  	_ = 	snop  }
0x3b: {  	_ = 	snop  }
0x3c: {  	p2 =	seq.s32 s10, $0x1;
	s10 =	sld [smem:$0x3FB2]  }
0x3d: {  	_ =	shalt  }
0x3e: {  	_ =	shalt  }
0x3f: {  	_ =	shalt  }
0x40: {  	_ =	shalt  }
0x41: {  	_ =	shalt  }
0x42: {  	_ =	shalt  }
0x43: {  	_ =	shalt  }
0x44: {  	_ =	shalt  }
0x45: {  	_ =	shalt  }
0x46: {  	_ =	shalt  }
0x47: {  	_ =	shalt  }
0x48: {  	_ =	shalt  }
0x49: {  	_ =	shalt  }
0x4a: {  	_ =	shalt  }
0x4b: {  	_ =	shalt  }
0x4c: {  	_ =	shalt  }
0x4d: {  	_ =	shalt  }
0x4e: {  	_ =	shalt  }
0x4f: {  	_ =	shalt  }
0x50: {  	_ =	shalt  }
0x51: {  	_ =	shalt  }
0x52: {  	_ =	shalt  }
0x53: {  	_ =	shalt  }
0x54: {  	_ =	shalt  }
0x55: {  	_ =	shalt  }
0x56: {  	_ =	shalt  }
0x57: {  	_ =	shalt  }
0x58: {  	_ =	shalt  }
0x59: {  	_ =	shalt  }
0x5a: {  	_ =	shalt  }
0x5b: {  	_ =	shalt  }
0x5c: {  	_ =	shalt  }
0x5d: {  	_ =	shalt  }
0x5e: {  	_ =	shalt  }
0x5f: {  	_ =	shalt  }
0x60: {  	_ =	shalt  }
0x61: {  	_ =	shalt  }
0x62: {  	_ =	shalt  }
0x63: {  	_ =	shalt  }
0x64: {  	_ =	shalt  }
0x65: {  	_ =	shalt  }
0x66: {  	_ =	shalt  }
0x67: {  	_ =	shalt  }
0x68: {  	_ =	shalt  }
0x69: {  	_ =	shalt  }
0x6a: {  	_ =	shalt  }
0x6b: {  	_ =	shalt  }
0x6c: {  	_ =	shalt  }
0x6d: {  	_ =	shalt  }
0x6e: {  	_ =	shalt  }
0x6f: {  	_ =	shalt  }
0x70: {  	_ =	shalt  }
0x71: {  	_ =	shalt  }
0x72: {  	_ =	shalt  }
0x73: {  	_ =	shalt  }
0x74: {  	_ =	shalt  }
0x75: {  	_ =	shalt  }
0x76: {  	_ =	shalt  }
0x77: {  	_ =	shalt  }
0x78: {  	_ =	shalt  }
0x79: {  	_ =	shalt  }
0x7a: {  	_ =	shalt  }
0x7b: {  	_ =	shalt  }
0x7c: {  	_ =	shalt  }
0x7d: {  	_ =	shalt  }
0x7e: {  	_ =	shalt  }
0x7f: {  	_ =	shalt  }
0x80: {  	_ =	shalt  }
0x81: {  	_ =	shalt  }
0x82: {  	_ =	shalt  }
0x83: {  	_ =	shalt  }
0x84: {  	_ =	shalt  }
0x85: {  	_ =	shalt  }
0x86: {  	_ =	shalt  }
0x87: {  	_ =	shalt  }
.Lfunc_end0:
.L_simem_size_0:
called_computation_lowered:
.L_overlay_start_0:
0x88: {  	s2 =	sld [smem:$0x3FD9]  }
0x89: {  	s3 =	sld [smem:$0x3FFE];
	_ =	sdelay $0x1  }
0x8a: {  	s1 =	srdreg.scid  }
0x8b: {  	s0 =	sand.u32 $0x1, s1  }
0x8c: {  	s14 =	sshll.u32 s0, $0xA;
	s2 =	sadd.s32 s3, s2  }
0x8d: {  	s2 =	sadd.s32 s2, s14  }
0x8e: {  	[smem:$0x3FBE] =	sst s2  }
0x8f: {  	_ = 	snop  }
0x90: {  	s2 =	sld [smem:$0x3FD0];
	_ =	sdelay $0x2  }
0x91: {  	s15 =	simm.s32 $0xA;
	s4 =	simm.s32 $0x10  }
0x92: {  	[smem:s4], [sflag:s15] =	dma.local [hbm:s2], $0x1  }
0x93: {  	_ =	swait.eq [sflag:s15], $0x1  }
0x94: {  	[sflag:s15] =	ssyncset.done $0x0  }
0x95: {  	[sflag:s15] =	ssyncadd.s32 $0xFFFFFFFF  }
0x96: {  	s16 =	sld [smem:$0x10];
	(tm) =	ssettm $0x1  }
0x97: {  	s17 =	sld [smem:$0x3FFB];
	_ =	sdelay $0x3  }
0x98: {  	_ =	strace s17  }
0x99: {  	s3 =	sld [smem:$0x3FFC];
	_ =	sdelay $0x3  }
0x9a: {  	_ =	strace s3  }
0x9b: {  	s3 =	sld [smem:$0x3FFD];
	_ =	sdelay $0x3  }
0x9c: {  	_ =	strace s3  }
0x9d: {  	_ =	strace $0x8FFFFFFF  }
0x9e: {  	s18 =	sld [smem:$0x3FDB];
	_ =	sdelay $0x1  }
0x9f: {  	s19 =	simm.s32 $_scs_section_size  }
0xa0: {  	s5 =	simm.s32 $_size__tile_overlayer_lowered;
	s6 =	simm.s32 $_tile_overlayer_lowered  }
0xa1: {  	s22 =	simm.s32 $0x1BFF;
	s21 =	sshll.u32 s6, $0x1;
	s3 =	sadd.s32 s19, s18  }
0xa2: {  	s7 =	simm.s32 $0x0;
	s20 =	sshll.u32 s5, $0x1;
	s5 =	sadd.s32 s21, s3  }
0xa3: {  	[timem:s7], [sflag:s22] =	dma.local [hbm:s5], s20  }
0xa4: {  	_ =	swait.ge [sflag:s22], s20  }
0xa5: {  	s4 =	ssub.s32 $0x0, s20;
	[sflag:s22] =	ssyncset.done $0x0  }
0xa6: {  	[sflag:s22] =	ssyncadd.s32 s4;
	_ =	sdelay $0x1  }
0xa7: {  	s23 =	simm.s32 $0x1B8B  }
0xa8: {  	_ =	swait.ge [sflag:s23], $0x1  }
0xa9: {  	[sflag:s23] =	ssyncset.done $0x0  }
0xaa: {  	s25 =	simm.s32 $0x1B8E;
	s24 =	sld [smem:$0x3FFE];
	[sflag:s23] =	ssyncadd.s32 $0xFFFFFFFF  }
0xab: {  	s26 =	simm.s32 $execute0_lowered;
	[smem:$0x3FD2] =	sst s25  }
0xac: {  	s5 =	sshll.u32 s26, $0x1;
	_ =	strace $0x80000046;
	[dreg:$0x1] =	wrdreg $0xFFFFFFFF  }
0xad: {  	s28 =	simm.s32 $_size_execute0_lowered;
	s3 =	sadd.s32 s3, s5;
	[dreg:$0x0] =	wrdreg $0x0  }
0xae: {  	s5 =	sshll.u32 s28, $0x1;
	[dreg:$0x2] =	wrdreg s3  }
0xaf: {  	[dreg:$0x3] =	wrdreg s5  }
0xb0: {  	[dreg:$0x4] =	wrdreg $0xC0  }
0xb1: {  	_ =	task [dreg:s7], $0x5FFFF  }
0xb2: {  	[dreg:$0x1] =	wrdreg $0xFFFFFFFF  }
0xb3: {  	[dreg:$0x0] =	wrdreg $0x60  }
0xb4: {  	[dreg:$0x2] =	wrdreg s24  }
0xb5: {  	[dreg:$0x3] =	wrdreg s16  }
0xb6: {  	[dreg:$0x4] =	wrdreg $0x2F100  }
0xb7: {  	[dreg:$0x5] =	wrdreg $0x9  }
0xb8: {  	_ =	task.clear_ibuf [dreg:s7], $0x6FFFF;
	_ =	strace $0x90000046  }
0xb9: {  	s29 =	simm.s32 $0x9;
	_ =	strace $0x80000048  }
0xba: {  	_ =	swait.ge [sflag:s29], $0x1  }
0xbb: {  	[sflag:s29] =	ssyncadd.s32 $0xFFFFFFFF  }
0xbc: {  	_ =	strace $0x90000048  }
0xbd: {  	_ =	sfence  }
0xbe: {  	s30 =	sld [smem:$0x0];
	_ =	sdelay $0x2  }
0xbf: {  	s31 =	sshll.u32 s1, $0xD;
	s1 =	sshrl.u32 s1, $0x2  }
0xc0: {  	s3 =	sand.u32 $0x4000, s31;
	s1 =	sadd.s32 s1, s30  }
0xc1: {  	s0 =	sor.u32 s3, s0;
	s1 =	sshll.u32 s1, $0x11  }
0xc2: {  	s0 =	sor.u32 s1, s0  }
0xc3: {  	s0 =	sadd.s32 $0x8F2B, s0  }
0xc4: {  	[sflag:s0] =	ssyncadd.remote.s32 $0x1  }
0xc5: {  	_ =	sfence.sel $0xFFFF  }
0xc6: {  	[dreg:$0x0] =	wrdreg $0xFFFFFFFF;
	(pc) =	sbr.abs _section_cstart, $3  }
0xc7: {  	[dreg:$0x1] =	wrdreg $0xFFFFFFFF  }
0xc8: {  	_ =	task.clear_ibuf [dreg:s7], $0x2FFFF;
	_ =	strace $0x9FFFFFFF  }
0xc9: {  	(tm) =	ssettm $0x7FFFFFFF  }
tec
execute0_lowered:
.L_overlay_start_1:
0x0: {  	(tag) =	ssettag $0x1  }
0x1: {  	s6 =	rddreg [dreg:$0x0]  }
0x2: {  	s2 =	rddreg [dreg:$0x1]  }
0x3: {  	s3 =	rddreg [dreg:$0x2]  }
0x4: {  	s0 =	rddreg [dreg:$0x3]  }
0x5: {  	s1 =	stileid.u32;
	s5 =	srdreg.scid;
	s4 =	simm.s32 $0x0  }
0x6: {  	s13 =	simm.s32 $0x80;
	s14 =	simm.s32 $0x10;
	s15 =	simm.s32 $0x2700  }
0x7: {  	s16 =	simm.s32 $0x1;
	s17 =	simm.s32 $0x0;
	s7 =	smul.u32 $0x2800, s1  }
0x8: {  	s5 =	sand.u32 $0x1, s5;
	[smem:$0x7FF] =	sst s4;
	s31 =	sshll.u32 s1, $0x6  }
0x9: {  	s8 =	smul.u32 $0x28000, s5;
	_ =	strace $0x80000047;
	s9 =	sshll.u32 s5, $0x4  }
0xa: {  	s5 =	ssub.s32 $0x2, s5;
	s10 =	sshrl.u32 s7, $0x3;
	s9 =	sor.u32 s1, s9  }
0xb: {  	s11 =	sshrl.u32 s5, $0x1;
	s12 =	sadd.s32 s7, s3;
	s8 =	sadd.s32 s7, s8  }
0xc: {  	s9 =	smul.u32 $0x2710, s9;
	s10 =	sadd.s32 s10, s6;
	s11 =	ssub.s32 s5, s11  }
0xd: {  	s8 =	sshrl.u32 s8, $0x3;
	s5 =	sadd.s32 $0x16C00, s10;
	s10 =	sshrl.u32 s12, $0x3  }
0xe: {  	s12 =	simm.s32 $0x2710;
	s8 =	sadd.s32 s8, s6;
	s30 =	sshrl.u32 s9, $0x3  }
0xf: {  	s9 =	smax.u32 s11, $0x1;
	s11 =	simm.s32 $0x2;
	s7 =	sadd.s32 s6, s30  }
0x10: {  	s6 =	sor.u32 $0x1C02, s31;
	s8 =	sadd.s32 $0x1BC00, s8;
	s7 =	sadd.s32 $0xCE40, s7  }
.LBB2_1:
0x11: {  	[spmem:s10], [sflag:s6] =	dma.local [hbm:s5], $0x500  }
0x12: {  	_ =	swait.ge [sflag:s11], $0x500  }
0x13: {  	[sflag:s11] =	ssyncset.done $0x0  }
0x14: {  	[sflag:s11] =	ssyncadd.s32 $0xFFFFFB00  }
0x15: {  	[tilespmem:s4], [sflag:$0x2] =	stream.linear.gather [hbm4b:s7+s4], $0x2710, $0x38;
	[tilespmem:$0x5710] =	vst v63  }
0x16: {  	_ =	swait.ge [sflag:s11], $0x2710  }
0x17: {  	[sflag:s11] =	ssyncset.done $0x0  }
0x18: {  	[sflag:s11] =	ssyncadd.s32 $0xFFFFD8F0  }
0x19: {  	[tilespmem:s12], [sflag:$0x2] =	stream.linear.gather [hbm4b:s2+s4], $0x800, $0x38;
	[tilespmem:$0x5710] =	vst v63  }
0x1a: {  	_ =	swait.ge [sflag:s11], $0x800  }
0x1b: {  	[sflag:s11] =	ssyncset.done $0x0  }
0x1c: {  	[sflag:s11] =	ssyncadd.s32 $0xFFFFF800  }
0x1d: {  	s18 =	simm.s32 $0x200;
	s19 =	simm.s32 $0x0;
	[bflag:$0x0] =	sbarrier.arrive $0xFFFF  }
.LBB2_2:
0x1e: {  	[spmem:s3] =	stream.indirect.scatter.add.f32 [tilespmem:s12], [sflag:$0x1], $0x10, s19, s13, $0xb8;
	[tilespmem:$0x5710] =	vst v63  }
0x1f: {  	s19 =	smov.u32 s18;
	p0 =	sne.s32 s18, $0x9A00  }
.Ltmp0:
0x20: {  	s18 =	sadd.s32 $0x200, s18;
	(pc) =	sbr.rel @p0 .LBB2_2-.Ltmp0, $2  }
0x21: {  	_ =	sdelay $0x2  }
0x22: {  	s19 =	sshra.s32 s19, $0x2  }
0x23: {  	[spmem:s3] =	stream.indirect.scatter.add.f32 [tilespmem:s12], [sflag:$0x1], $0x10, s19, s13, $0xb8;
	[tilespmem:$0x5710] =	vst v63  }
0x24: {  	_ = 	snop  }
0x25: {  	[spmem:s3] =	stream.indirect.scatter.add.f32 [tilespmem:s12], [sflag:$0x1], $0x10, s15, s14, $0xb8;
	[tilespmem:$0x5710] =	vst v63  }
0x26: {  	_ =	swait.ge [sflag:s16], $0x800  }
0x27: {  	s18 =	simm.s32 $0x4D;
	[sflag:s16] =	ssyncset.done $0x0  }
.LBB2_4:
0x28: {  	p0 =	sne.s32 s18, $0x1;
	s18 =	sadd.s32 $0xFFFFFFFF, s18;
	[sflag:s16] =	ssyncadd.s32 $0xFFFFF800  }
.Ltmp1:
0x29: {  	(pc) =	sbr.rel @p0 .LBB2_4-.Ltmp1, $3  }
0x2a: {  	_ =	sdelay $0x1  }
0x2b: {  	_ =	swait.ge [sflag:s16], $0x800  }
0x2c: {  	[sflag:s16] =	ssyncset.done $0x0  }
0x2d: {  	[sflag:s16] =	ssyncadd.s32 $0xFFFFF800  }
0x2e: {  	_ =	swait.ge [sflag:s16], $0x100  }
0x2f: {  	s17 =	sadd.s32 $0x1, s17;
	[sflag:s16] =	ssyncset.done $0x0  }
0x30: {  	p0 =	sne.s32 s17, s9;
	[sflag:s16] =	ssyncadd.s32 $0xFFFFFF00  }
.Ltmp2:
0x31: {  	[bflag:$0x0] =	sbarrier.arrive $0xFFFF;
	(pc) =	sbr.rel @p0 .LBB2_1-.Ltmp2, $4  }
0x32: {  	[hbm:s8], [sflag:s6] =	dma.local [spmem:s10], $0x500  }
0x33: {  	_ =	swait.ge [sflag:s11], $0x500  }
0x34: {  	[sflag:s11] =	ssyncset.done $0x0  }
0x35: {  	[sflag:s11] =	ssyncadd.s32 $0xFFFFFB00  }
0x36: {  	_ =	sfence.sel $0x180000  }
0x37: {  	[bflag:$0x0] =	sbarrier.arrive $0xFFFF  }
0x38: {  	p0 =	sne.s32 s1, $0x0;
	_ =	strace $0x90000047  }
0x39: {  	s0 =	sadd.s32 @!p0 $0x100000, s0;
	[bflag:$0x2] =	sbarrier.arrive $0xFFFF  }
0x3a: {  	[sflag:s0] =	ssyncadd.tile.s32 @!p0 $0x1;
	_ =	shalt  }
.Lfunc_end2:
_tile_overlayer_lowered:
.L_overlay_start_2:
0x3b: {  	(tag) =	ssettag $0x2  }
0x3c: {  	s0 =	rddreg [dreg:$0x0];
	s2 =	stileid.u32  }
0x3d: {  	s1 =	rddreg [dreg:$0x1];
	p0 =	sne.s32 s2, $0x0  }
0x3e: {  	s3 =	rddreg [dreg:$0x2];
	[bflag:$0x3] =	sbarrier.arrive $0xFFFF;
	s2 =	simm.s32 @!p0 $0x1C02  }
0x3f: {  	[timem:s3], [sflag:s2] =	dma.local @!p0 [hbm:s0], s1  }
0x40: {  	s0 =	simm.s32 @!p0 $0x2  }
0x41: {  	_ =	swait.ge @!p0 [sflag:s0], s1  }
0x42: {  	s1 =	ssub.s32 @!p0 $0x0, s1;
	[sflag:s0] =	ssyncset.done @!p0 $0x0  }
0x43: {  	[sflag:s0] =	ssyncadd.s32 @!p0 s1  }
0x44: {  	[bflag:$0x3] =	sbarrier.arrive $0xFFFF  }
0x45: {  	_ =	shalt  }

</sc_bundles>
